<compile_context>
chip_gen: v7x
topology: tpu7x:2x2x1
jax: 0.10.2.dev20260603
libtpu: 0.0.44.dev20260713+nightly
codegen_flags: <defaults>
</compile_context>

<pallas_src>
import functools

import jax
import jax.numpy as jnp
from jax import lax
from jax.experimental import pallas as pl
from jax.experimental.pallas import tpu as pltpu
from jax.experimental.pallas import tpu_sc as plsc

_B = 16384
_K = 64
_NW = 32
_RPW = _B // _NW
_CHUNK = 128
_NCHUNK = _RPW // _CHUNK
_GROUPS = _RPW // 16


def _sc_dot(uid_hbm, mid_hbm, u_emb_hbm, i_emb_hbm, out_hbm,
            uidx, midx, urows, vrows, outv, sem):
    wid = lax.axis_index("s") * 2 + lax.axis_index("c")

    pltpu.sync_copy(uid_hbm.at[wid], uidx)
    pltpu.sync_copy(mid_hbm.at[wid], midx)

    copies = []
    for c in range(_NCHUNK):
        dst = pl.ds(c * _CHUNK, _CHUNK)
        copies.append(pltpu.async_copy(u_emb_hbm.at[uidx.at[c]], urows.at[dst], sem))
        copies.append(pltpu.async_copy(i_emb_hbm.at[midx.at[c]], vrows.at[dst], sem))
    for cp in copies:
        cp.wait()

    iota16 = lax.iota(jnp.int32, 16)
    _dnums = lax.GatherDimensionNumbers(
        offset_dims=(), collapsed_slice_dims=(0,), start_index_map=(0,))

    def _shuffle(v, idx):
        return lax.gather(v, idx[:, None], _dnums, slice_sizes=(1,),
                          mode=lax.GatherScatterMode.PROMISE_IN_BOUNDS)

    def group(g, carry):
        off = pl.multiple_of(g * 16, 16)
        outvec = jnp.zeros((16,), jnp.float32)
        for rr in range(16):
            r = off + rr
            acc = jnp.zeros((16,), jnp.float32)
            for j in range(_K // 16):
                sl = pl.ds(j * 16, 16)
                acc = acc + urows[r, sl] * vrows[r, sl]
            for sh in (8, 4, 2, 1):
                acc = acc + _shuffle(acc, iota16 ^ sh)
            outvec = jnp.where(iota16 == rr, acc, outvec)
        outv[pl.ds(off, 16)] = outvec
        return carry

    lax.fori_loop(0, _GROUPS, group, 0)

    pltpu.sync_copy(outv, out_hbm.at[pl.ds(wid * _RPW, _RPW)])


@jax.jit
def kernel(uid, mid, u_emb, i_emb):
    mesh = plsc.VectorSubcoreMesh(core_axis_name="c", subcore_axis_name="s")
    fn = functools.partial(
        pl.kernel,
        mesh=mesh,
        out_type=jax.ShapeDtypeStruct((_B,), jnp.float32),
        scratch_types=[
            pltpu.VMEM((_NCHUNK, _CHUNK), jnp.int32),
            pltpu.VMEM((_NCHUNK, _CHUNK), jnp.int32),
            pltpu.VMEM((_RPW, _K), jnp.float32),
            pltpu.VMEM((_RPW, _K), jnp.float32),
            pltpu.VMEM((_RPW,), jnp.float32),
            pltpu.SemaphoreType.DMA,
        ],
        compiler_params=pltpu.CompilerParams(use_tc_tiling_on_sc=False),
    )(_sc_dot)
    return fn(uid.reshape(_NW, _NCHUNK, _CHUNK), mid.reshape(_NW, _NCHUNK, _CHUNK),
              u_emb, i_emb)

# --- scband reference (transcript-rebuilt; emitter-appended) ---
"""Pipeline reference for scband-lfmmodel-5600637354845 (READ-ONLY COPY).

The authoritative reference and input builder live on the scoring server;
editing this copy changes nothing except your own understanding.
"""

import jax, jax.numpy as jnp
import numpy as np

USER_NUM = 1000000
ITEM_NUM = 1000000
K = 64
BATCH = 16384

def setup_inputs(seed: int = 0) -> dict:
    key = jax.random.key(seed)
    k1, k2, k3, k4 = jax.random.split(key, 4)
    uid = jax.random.randint(k1, (BATCH,), 0, USER_NUM, dtype=jnp.int64 if jax.config.jax_enable_x64 else jnp.int32).astype(jnp.int32)
    mid = jax.random.randint(k2, (BATCH,), 0, ITEM_NUM, dtype=jnp.int64 if jax.config.jax_enable_x64 else jnp.int32).astype(jnp.int32)
    # learned parameters: embedding tables initialized uniform(0, 0.005) as in the torch module
    u_emb = jax.random.uniform(k3, (USER_NUM, K), dtype=jnp.float32, minval=0.0, maxval=0.005)
    i_emb = jax.random.uniform(k4, (ITEM_NUM, K), dtype=jnp.float32, minval=0.0, maxval=0.005)
    return {"uid": uid, "mid": mid, "u_emb": u_emb, "i_emb": i_emb}

def reference(uid, mid, u_emb, i_emb):
    # embedding gathers (SparseCore-friendly) followed by elementwise product and row-sum
    u = jnp.take(u_emb, uid, axis=0)  # [B, K]
    v = jnp.take(i_emb, mid, axis=0)  # [B, K]
    return (u * v).sum(axis=1)        # [B]

if __name__ == "__main__":
    import jax
    _d = setup_inputs()
    print(jax.jit(kernel)(*tuple(_d.values())))

</pallas_src>

<mosaic_0001>
#map = affine_map<(d0, d1) -> (0, 0, 0)>
#map1 = affine_map<(d0, d1) -> (0, 0)>
#map2 = affine_map<(d0, d1) -> (0)>
module attributes {stable_mosaic.version = 14 : i64} {
  func.func @_sc_dot(%arg0: i32, %arg1: i32, %arg2: memref<32x4x128xi32, #tpu.memory_space<hbm>>, %arg3: memref<32x4x128xi32, #tpu.memory_space<hbm>>, %arg4: memref<1000000x64xf32, #tpu.memory_space<hbm>>, %arg5: memref<1000000x64xf32, #tpu.memory_space<hbm>>, %arg6: memref<16384xf32, #tpu.memory_space<hbm>>, %arg7: memref<4x128xi32, #tpu.memory_space<vmem>>, %arg8: memref<4x128xi32, #tpu.memory_space<vmem>>, %arg9: memref<512x64xf32, #tpu.memory_space<vmem>>, %arg10: memref<512x64xf32, #tpu.memory_space<vmem>>, %arg11: memref<512xf32, #tpu.memory_space<vmem>>, %arg12: memref<!tpu.dma_semaphore, #tpu.memory_space<semaphore_mem>>) attributes {dimension_semantics = [#tpu.dimension_semantics<core_parallel>, #tpu.dimension_semantics<subcore_parallel>], iteration_bounds = array<i64: 2, 16>, scalar_prefetch = 0 : i64, scratch_operands = 6 : i64, tpu.core_type = #tpu.core_type<sc_vector_subcore>, window_params = [{transform_indices = #map}, {transform_indices = #map}, {transform_indices = #map1}, {transform_indices = #map1}, {transform_indices = #map2}]} {
    %mul3A = arith.constant 2 : i32
    %mul3A_0 = arith.muli %arg1, %mul3A : i32
    %add3A = arith.addi %mul3A_0, %arg0 : i32
    "tpu.region"() ({
      %run_scoped3A = tpu.sem_alloc : memref<!tpu.dma_semaphore, #tpu.memory_space<semaphore_mem>>
      %dma_start3A_166 = arith.constant 0 : i32
      %dma_start3A_167 = arith.constant 0 : i32
      %dma_start3A_168 = tpu.memref_slice %arg2[%add3A, %dma_start3A_166, %dma_start3A_167] : memref<32x4x128xi32, #tpu.memory_space<hbm>> -> memref<1x4x128xi32, #tpu.memory_space<hbm>>
      %dma_start3A_169 = tpu.memref_squeeze %dma_start3A_168 : memref<1x4x128xi32, #tpu.memory_space<hbm>> -> memref<4x128xi32, #tpu.memory_space<hbm>>
      %dma_start3A_170 = arith.constant 0 : i32
      %dma_start3A_171 = arith.constant 0 : i32
      %dma_start3A_172 = tpu.memref_slice %arg2[%add3A, %dma_start3A_170, %dma_start3A_171] : memref<32x4x128xi32, #tpu.memory_space<hbm>> -> memref<1x4x128xi32, #tpu.memory_space<hbm>>
      %dma_start3A_173 = tpu.memref_squeeze %dma_start3A_172 : memref<1x4x128xi32, #tpu.memory_space<hbm>> -> memref<4x128xi32, #tpu.memory_space<hbm>>
      tpu.enqueue_dma source(%dma_start3A_173 : memref<4x128xi32, #tpu.memory_space<hbm>>) target(%arg7 : memref<4x128xi32, #tpu.memory_space<vmem>>) target_semaphore(%run_scoped3A : memref<!tpu.dma_semaphore, #tpu.memory_space<semaphore_mem>>)
      %dma_wait3A_174 = arith.constant 0 : i32
      %dma_wait3A_175 = arith.constant 0 : i32
      %dma_wait3A_176 = tpu.memref_slice %arg2[%add3A, %dma_wait3A_174, %dma_wait3A_175] : memref<32x4x128xi32, #tpu.memory_space<hbm>> -> memref<1x4x128xi32, #tpu.memory_space<hbm>>
      %dma_wait3A_177 = tpu.memref_squeeze %dma_wait3A_176 : memref<1x4x128xi32, #tpu.memory_space<hbm>> -> memref<4x128xi32, #tpu.memory_space<hbm>>
      %dma_wait3A_178 = arith.constant 0 : i32
      %dma_wait3A_179 = arith.constant 0 : i32
      %dma_wait3A_180 = tpu.memref_slice %arg2[%add3A, %dma_wait3A_178, %dma_wait3A_179] : memref<32x4x128xi32, #tpu.memory_space<hbm>> -> memref<1x4x128xi32, #tpu.memory_space<hbm>>
      %dma_wait3A_181 = tpu.memref_squeeze %dma_wait3A_180 : memref<1x4x128xi32, #tpu.memory_space<hbm>> -> memref<4x128xi32, #tpu.memory_space<hbm>>
      tpu.wait_dma2 semaphore(%run_scoped3A : memref<!tpu.dma_semaphore, #tpu.memory_space<semaphore_mem>>) src(%dma_wait3A_181 : memref<4x128xi32, #tpu.memory_space<hbm>>) dst(%arg7 : memref<4x128xi32, #tpu.memory_space<vmem>>)
      tpu.yield
    }) : () -> ()
    "tpu.region"() ({
      %run_scoped3A = tpu.sem_alloc : memref<!tpu.dma_semaphore, #tpu.memory_space<semaphore_mem>>
      %dma_start3A_166 = arith.constant 0 : i32
      %dma_start3A_167 = arith.constant 0 : i32
      %dma_start3A_168 = tpu.memref_slice %arg3[%add3A, %dma_start3A_166, %dma_start3A_167] : memref<32x4x128xi32, #tpu.memory_space<hbm>> -> memref<1x4x128xi32, #tpu.memory_space<hbm>>
      %dma_start3A_169 = tpu.memref_squeeze %dma_start3A_168 : memref<1x4x128xi32, #tpu.memory_space<hbm>> -> memref<4x128xi32, #tpu.memory_space<hbm>>
      %dma_start3A_170 = arith.constant 0 : i32
      %dma_start3A_171 = arith.constant 0 : i32
      %dma_start3A_172 = tpu.memref_slice %arg3[%add3A, %dma_start3A_170, %dma_start3A_171] : memref<32x4x128xi32, #tpu.memory_space<hbm>> -> memref<1x4x128xi32, #tpu.memory_space<hbm>>
      %dma_start3A_173 = tpu.memref_squeeze %dma_start3A_172 : memref<1x4x128xi32, #tpu.memory_space<hbm>> -> memref<4x128xi32, #tpu.memory_space<hbm>>
      tpu.enqueue_dma source(%dma_start3A_173 : memref<4x128xi32, #tpu.memory_space<hbm>>) target(%arg8 : memref<4x128xi32, #tpu.memory_space<vmem>>) target_semaphore(%run_scoped3A : memref<!tpu.dma_semaphore, #tpu.memory_space<semaphore_mem>>)
      %dma_wait3A_174 = arith.constant 0 : i32
      %dma_wait3A_175 = arith.constant 0 : i32
      %dma_wait3A_176 = tpu.memref_slice %arg3[%add3A, %dma_wait3A_174, %dma_wait3A_175] : memref<32x4x128xi32, #tpu.memory_space<hbm>> -> memref<1x4x128xi32, #tpu.memory_space<hbm>>
      %dma_wait3A_177 = tpu.memref_squeeze %dma_wait3A_176 : memref<1x4x128xi32, #tpu.memory_space<hbm>> -> memref<4x128xi32, #tpu.memory_space<hbm>>
      %dma_wait3A_178 = arith.constant 0 : i32
      %dma_wait3A_179 = arith.constant 0 : i32
      %dma_wait3A_180 = tpu.memref_slice %arg3[%add3A, %dma_wait3A_178, %dma_wait3A_179] : memref<32x4x128xi32, #tpu.memory_space<hbm>> -> memref<1x4x128xi32, #tpu.memory_space<hbm>>
      %dma_wait3A_181 = tpu.memref_squeeze %dma_wait3A_180 : memref<1x4x128xi32, #tpu.memory_space<hbm>> -> memref<4x128xi32, #tpu.memory_space<hbm>>
      tpu.wait_dma2 semaphore(%run_scoped3A : memref<!tpu.dma_semaphore, #tpu.memory_space<semaphore_mem>>) src(%dma_wait3A_181 : memref<4x128xi32, #tpu.memory_space<hbm>>) dst(%arg8 : memref<4x128xi32, #tpu.memory_space<vmem>>)
      tpu.yield
    }) : () -> ()
    %dma_start3A = arith.constant 0 : i32
    %dma_start3A_1 = arith.constant 0 : i32
    %dma_start3A_2 = arith.constant 0 : i32
    %dma_start3A_3 = tpu.memref_slice %arg9[%dma_start3A_1, %dma_start3A_2] : memref<512x64xf32, #tpu.memory_space<vmem>> -> memref<128x64xf32, #tpu.memory_space<vmem>>
    %dma_start3A_4 = arith.constant 0 : i32
    %dma_start3A_5 = tpu.memref_slice %arg7[%dma_start3A, %dma_start3A_4] : memref<4x128xi32, #tpu.memory_space<vmem>> -> memref<1x128xi32, #tpu.memory_space<vmem>>
    %dma_start3A_6 = tpu.memref_squeeze %dma_start3A_5 : memref<1x128xi32, #tpu.memory_space<vmem>> -> memref<128xi32, #tpu.memory_space<vmem>>
    %dma_start3A_7 = arith.constant 0 : i32
    %dma_start3A_8 = arith.constant 0 : i32
    %dma_start3A_9 = tpu.memref_slice %arg4[%dma_start3A_7, %dma_start3A_8] : memref<1000000x64xf32, #tpu.memory_space<hbm>> -> memref<1000000x64xf32, #tpu.memory_space<hbm>>
    tpu.enqueue_indirect_dma source(%dma_start3A_9 : memref<1000000x64xf32, #tpu.memory_space<hbm>>) target(%dma_start3A_3 : memref<128x64xf32, #tpu.memory_space<vmem>>) offsets(%dma_start3A_6 : memref<128xi32, #tpu.memory_space<vmem>>) semaphore(%arg12 : memref<!tpu.dma_semaphore, #tpu.memory_space<semaphore_mem>>)
    %dma_start3A_10 = arith.constant 0 : i32
    %dma_start3A_11 = arith.constant 0 : i32
    %dma_start3A_12 = arith.constant 0 : i32
    %dma_start3A_13 = tpu.memref_slice %arg10[%dma_start3A_11, %dma_start3A_12] : memref<512x64xf32, #tpu.memory_space<vmem>> -> memref<128x64xf32, #tpu.memory_space<vmem>>
    %dma_start3A_14 = arith.constant 0 : i32
    %dma_start3A_15 = tpu.memref_slice %arg8[%dma_start3A_10, %dma_start3A_14] : memref<4x128xi32, #tpu.memory_space<vmem>> -> memref<1x128xi32, #tpu.memory_space<vmem>>
    %dma_start3A_16 = tpu.memref_squeeze %dma_start3A_15 : memref<1x128xi32, #tpu.memory_space<vmem>> -> memref<128xi32, #tpu.memory_space<vmem>>
    %dma_start3A_17 = arith.constant 0 : i32
    %dma_start3A_18 = arith.constant 0 : i32
    %dma_start3A_19 = tpu.memref_slice %arg5[%dma_start3A_17, %dma_start3A_18] : memref<1000000x64xf32, #tpu.memory_space<hbm>> -> memref<1000000x64xf32, #tpu.memory_space<hbm>>
    tpu.enqueue_indirect_dma source(%dma_start3A_19 : memref<1000000x64xf32, #tpu.memory_space<hbm>>) target(%dma_start3A_13 : memref<128x64xf32, #tpu.memory_space<vmem>>) offsets(%dma_start3A_16 : memref<128xi32, #tpu.memory_space<vmem>>) semaphore(%arg12 : memref<!tpu.dma_semaphore, #tpu.memory_space<semaphore_mem>>)
    %dma_start3A_20 = arith.constant 1 : i32
    %dma_start3A_21 = arith.constant 128 : i32
    %dma_start3A_22 = arith.constant 0 : i32
    %dma_start3A_23 = tpu.memref_slice %arg9[%dma_start3A_21, %dma_start3A_22] : memref<512x64xf32, #tpu.memory_space<vmem>> -> memref<128x64xf32, #tpu.memory_space<vmem>>
    %dma_start3A_24 = arith.constant 0 : i32
    %dma_start3A_25 = tpu.memref_slice %arg7[%dma_start3A_20, %dma_start3A_24] : memref<4x128xi32, #tpu.memory_space<vmem>> -> memref<1x128xi32, #tpu.memory_space<vmem>>
    %dma_start3A_26 = tpu.memref_squeeze %dma_start3A_25 : memref<1x128xi32, #tpu.memory_space<vmem>> -> memref<128xi32, #tpu.memory_space<vmem>>
    %dma_start3A_27 = arith.constant 0 : i32
    %dma_start3A_28 = arith.constant 0 : i32
    %dma_start3A_29 = tpu.memref_slice %arg4[%dma_start3A_27, %dma_start3A_28] : memref<1000000x64xf32, #tpu.memory_space<hbm>> -> memref<1000000x64xf32, #tpu.memory_space<hbm>>
    tpu.enqueue_indirect_dma source(%dma_start3A_29 : memref<1000000x64xf32, #tpu.memory_space<hbm>>) target(%dma_start3A_23 : memref<128x64xf32, #tpu.memory_space<vmem>>) offsets(%dma_start3A_26 : memref<128xi32, #tpu.memory_space<vmem>>) semaphore(%arg12 : memref<!tpu.dma_semaphore, #tpu.memory_space<semaphore_mem>>)
    %dma_start3A_30 = arith.constant 1 : i32
    %dma_start3A_31 = arith.constant 128 : i32
    %dma_start3A_32 = arith.constant 0 : i32
    %dma_start3A_33 = tpu.memref_slice %arg10[%dma_start3A_31, %dma_start3A_32] : memref<512x64xf32, #tpu.memory_space<vmem>> -> memref<128x64xf32, #tpu.memory_space<vmem>>
    %dma_start3A_34 = arith.constant 0 : i32
    %dma_start3A_35 = tpu.memref_slice %arg8[%dma_start3A_30, %dma_start3A_34] : memref<4x128xi32, #tpu.memory_space<vmem>> -> memref<1x128xi32, #tpu.memory_space<vmem>>
    %dma_start3A_36 = tpu.memref_squeeze %dma_start3A_35 : memref<1x128xi32, #tpu.memory_space<vmem>> -> memref<128xi32, #tpu.memory_space<vmem>>
    %dma_start3A_37 = arith.constant 0 : i32
    %dma_start3A_38 = arith.constant 0 : i32
    %dma_start3A_39 = tpu.memref_slice %arg5[%dma_start3A_37, %dma_start3A_38] : memref<1000000x64xf32, #tpu.memory_space<hbm>> -> memref<1000000x64xf32, #tpu.memory_space<hbm>>
    tpu.enqueue_indirect_dma source(%dma_start3A_39 : memref<1000000x64xf32, #tpu.memory_space<hbm>>) target(%dma_start3A_33 : memref<128x64xf32, #tpu.memory_space<vmem>>) offsets(%dma_start3A_36 : memref<128xi32, #tpu.memory_space<vmem>>) semaphore(%arg12 : memref<!tpu.dma_semaphore, #tpu.memory_space<semaphore_mem>>)
    %dma_start3A_40 = arith.constant 2 : i32
    %dma_start3A_41 = arith.constant 256 : i32
    %dma_start3A_42 = arith.constant 0 : i32
    %dma_start3A_43 = tpu.memref_slice %arg9[%dma_start3A_41, %dma_start3A_42] : memref<512x64xf32, #tpu.memory_space<vmem>> -> memref<128x64xf32, #tpu.memory_space<vmem>>
    %dma_start3A_44 = arith.constant 0 : i32
    %dma_start3A_45 = tpu.memref_slice %arg7[%dma_start3A_40, %dma_start3A_44] : memref<4x128xi32, #tpu.memory_space<vmem>> -> memref<1x128xi32, #tpu.memory_space<vmem>>
    %dma_start3A_46 = tpu.memref_squeeze %dma_start3A_45 : memref<1x128xi32, #tpu.memory_space<vmem>> -> memref<128xi32, #tpu.memory_space<vmem>>
    %dma_start3A_47 = arith.constant 0 : i32
    %dma_start3A_48 = arith.constant 0 : i32
    %dma_start3A_49 = tpu.memref_slice %arg4[%dma_start3A_47, %dma_start3A_48] : memref<1000000x64xf32, #tpu.memory_space<hbm>> -> memref<1000000x64xf32, #tpu.memory_space<hbm>>
    tpu.enqueue_indirect_dma source(%dma_start3A_49 : memref<1000000x64xf32, #tpu.memory_space<hbm>>) target(%dma_start3A_43 : memref<128x64xf32, #tpu.memory_space<vmem>>) offsets(%dma_start3A_46 : memref<128xi32, #tpu.memory_space<vmem>>) semaphore(%arg12 : memref<!tpu.dma_semaphore, #tpu.memory_space<semaphore_mem>>)
    %dma_start3A_50 = arith.constant 2 : i32
    %dma_start3A_51 = arith.constant 256 : i32
    %dma_start3A_52 = arith.constant 0 : i32
    %dma_start3A_53 = tpu.memref_slice %arg10[%dma_start3A_51, %dma_start3A_52] : memref<512x64xf32, #tpu.memory_space<vmem>> -> memref<128x64xf32, #tpu.memory_space<vmem>>
    %dma_start3A_54 = arith.constant 0 : i32
    %dma_start3A_55 = tpu.memref_slice %arg8[%dma_start3A_50, %dma_start3A_54] : memref<4x128xi32, #tpu.memory_space<vmem>> -> memref<1x128xi32, #tpu.memory_space<vmem>>
    %dma_start3A_56 = tpu.memref_squeeze %dma_start3A_55 : memref<1x128xi32, #tpu.memory_space<vmem>> -> memref<128xi32, #tpu.memory_space<vmem>>
    %dma_start3A_57 = arith.constant 0 : i32
    %dma_start3A_58 = arith.constant 0 : i32
    %dma_start3A_59 = tpu.memref_slice %arg5[%dma_start3A_57, %dma_start3A_58] : memref<1000000x64xf32, #tpu.memory_space<hbm>> -> memref<1000000x64xf32, #tpu.memory_space<hbm>>
    tpu.enqueue_indirect_dma source(%dma_start3A_59 : memref<1000000x64xf32, #tpu.memory_space<hbm>>) target(%dma_start3A_53 : memref<128x64xf32, #tpu.memory_space<vmem>>) offsets(%dma_start3A_56 : memref<128xi32, #tpu.memory_space<vmem>>) semaphore(%arg12 : memref<!tpu.dma_semaphore, #tpu.memory_space<semaphore_mem>>)
    %dma_start3A_60 = arith.constant 3 : i32
    %dma_start3A_61 = arith.constant 384 : i32
    %dma_start3A_62 = arith.constant 0 : i32
    %dma_start3A_63 = tpu.memref_slice %arg9[%dma_start3A_61, %dma_start3A_62] : memref<512x64xf32, #tpu.memory_space<vmem>> -> memref<128x64xf32, #tpu.memory_space<vmem>>
    %dma_start3A_64 = arith.constant 0 : i32
    %dma_start3A_65 = tpu.memref_slice %arg7[%dma_start3A_60, %dma_start3A_64] : memref<4x128xi32, #tpu.memory_space<vmem>> -> memref<1x128xi32, #tpu.memory_space<vmem>>
    %dma_start3A_66 = tpu.memref_squeeze %dma_start3A_65 : memref<1x128xi32, #tpu.memory_space<vmem>> -> memref<128xi32, #tpu.memory_space<vmem>>
    %dma_start3A_67 = arith.constant 0 : i32
    %dma_start3A_68 = arith.constant 0 : i32
    %dma_start3A_69 = tpu.memref_slice %arg4[%dma_start3A_67, %dma_start3A_68] : memref<1000000x64xf32, #tpu.memory_space<hbm>> -> memref<1000000x64xf32, #tpu.memory_space<hbm>>
    tpu.enqueue_indirect_dma source(%dma_start3A_69 : memref<1000000x64xf32, #tpu.memory_space<hbm>>) target(%dma_start3A_63 : memref<128x64xf32, #tpu.memory_space<vmem>>) offsets(%dma_start3A_66 : memref<128xi32, #tpu.memory_space<vmem>>) semaphore(%arg12 : memref<!tpu.dma_semaphore, #tpu.memory_space<semaphore_mem>>)
    %dma_start3A_70 = arith.constant 3 : i32
    %dma_start3A_71 = arith.constant 384 : i32
    %dma_start3A_72 = arith.constant 0 : i32
    %dma_start3A_73 = tpu.memref_slice %arg10[%dma_start3A_71, %dma_start3A_72] : memref<512x64xf32, #tpu.memory_space<vmem>> -> memref<128x64xf32, #tpu.memory_space<vmem>>
    %dma_start3A_74 = arith.constant 0 : i32
    %dma_start3A_75 = tpu.memref_slice %arg8[%dma_start3A_70, %dma_start3A_74] : memref<4x128xi32, #tpu.memory_space<vmem>> -> memref<1x128xi32, #tpu.memory_space<vmem>>
    %dma_start3A_76 = tpu.memref_squeeze %dma_start3A_75 : memref<1x128xi32, #tpu.memory_space<vmem>> -> memref<128xi32, #tpu.memory_space<vmem>>
    %dma_start3A_77 = arith.constant 0 : i32
    %dma_start3A_78 = arith.constant 0 : i32
    %dma_start3A_79 = tpu.memref_slice %arg5[%dma_start3A_77, %dma_start3A_78] : memref<1000000x64xf32, #tpu.memory_space<hbm>> -> memref<1000000x64xf32, #tpu.memory_space<hbm>>
    tpu.enqueue_indirect_dma source(%dma_start3A_79 : memref<1000000x64xf32, #tpu.memory_space<hbm>>) target(%dma_start3A_73 : memref<128x64xf32, #tpu.memory_space<vmem>>) offsets(%dma_start3A_76 : memref<128xi32, #tpu.memory_space<vmem>>) semaphore(%arg12 : memref<!tpu.dma_semaphore, #tpu.memory_space<semaphore_mem>>)
    %dma_wait3A = arith.constant 0 : i32
    %dma_wait3A_80 = arith.constant 0 : i32
    %dma_wait3A_81 = arith.constant 0 : i32
    %dma_wait3A_82 = tpu.memref_slice %arg9[%dma_wait3A_80, %dma_wait3A_81] : memref<512x64xf32, #tpu.memory_space<vmem>> -> memref<128x64xf32, #tpu.memory_space<vmem>>
    %dma_wait3A_83 = arith.constant 0 : i32
    %dma_wait3A_84 = tpu.memref_slice %arg7[%dma_wait3A, %dma_wait3A_83] : memref<4x128xi32, #tpu.memory_space<vmem>> -> memref<1x128xi32, #tpu.memory_space<vmem>>
    %dma_wait3A_85 = tpu.memref_squeeze %dma_wait3A_84 : memref<1x128xi32, #tpu.memory_space<vmem>> -> memref<128xi32, #tpu.memory_space<vmem>>
    %dma_wait3A_86 = arith.constant 0 : i32
    %dma_wait3A_87 = arith.constant 0 : i32
    %dma_wait3A_88 = tpu.memref_slice %arg4[%dma_wait3A_86, %dma_wait3A_87] : memref<1000000x64xf32, #tpu.memory_space<hbm>> -> memref<1000000x64xf32, #tpu.memory_space<hbm>>
    tpu.wait_indirect_dma semaphore(%arg12 : memref<!tpu.dma_semaphore, #tpu.memory_space<semaphore_mem>>) src(%dma_wait3A_88 : memref<1000000x64xf32, #tpu.memory_space<hbm>>) dst(%dma_wait3A_82 : memref<128x64xf32, #tpu.memory_space<vmem>>)
    %dma_wait3A_89 = arith.constant 0 : i32
    %dma_wait3A_90 = arith.constant 0 : i32
    %dma_wait3A_91 = arith.constant 0 : i32
    %dma_wait3A_92 = tpu.memref_slice %arg10[%dma_wait3A_90, %dma_wait3A_91] : memref<512x64xf32, #tpu.memory_space<vmem>> -> memref<128x64xf32, #tpu.memory_space<vmem>>
    %dma_wait3A_93 = arith.constant 0 : i32
    %dma_wait3A_94 = tpu.memref_slice %arg8[%dma_wait3A_89, %dma_wait3A_93] : memref<4x128xi32, #tpu.memory_space<vmem>> -> memref<1x128xi32, #tpu.memory_space<vmem>>
    %dma_wait3A_95 = tpu.memref_squeeze %dma_wait3A_94 : memref<1x128xi32, #tpu.memory_space<vmem>> -> memref<128xi32, #tpu.memory_space<vmem>>
    %dma_wait3A_96 = arith.constant 0 : i32
    %dma_wait3A_97 = arith.constant 0 : i32
    %dma_wait3A_98 = tpu.memref_slice %arg5[%dma_wait3A_96, %dma_wait3A_97] : memref<1000000x64xf32, #tpu.memory_space<hbm>> -> memref<1000000x64xf32, #tpu.memory_space<hbm>>
    tpu.wait_indirect_dma semaphore(%arg12 : memref<!tpu.dma_semaphore, #tpu.memory_space<semaphore_mem>>) src(%dma_wait3A_98 : memref<1000000x64xf32, #tpu.memory_space<hbm>>) dst(%dma_wait3A_92 : memref<128x64xf32, #tpu.memory_space<vmem>>)
    %dma_wait3A_99 = arith.constant 1 : i32
    %dma_wait3A_100 = arith.constant 128 : i32
    %dma_wait3A_101 = arith.constant 0 : i32
    %dma_wait3A_102 = tpu.memref_slice %arg9[%dma_wait3A_100, %dma_wait3A_101] : memref<512x64xf32, #tpu.memory_space<vmem>> -> memref<128x64xf32, #tpu.memory_space<vmem>>
    %dma_wait3A_103 = arith.constant 0 : i32
    %dma_wait3A_104 = tpu.memref_slice %arg7[%dma_wait3A_99, %dma_wait3A_103] : memref<4x128xi32, #tpu.memory_space<vmem>> -> memref<1x128xi32, #tpu.memory_space<vmem>>
    %dma_wait3A_105 = tpu.memref_squeeze %dma_wait3A_104 : memref<1x128xi32, #tpu.memory_space<vmem>> -> memref<128xi32, #tpu.memory_space<vmem>>
    %dma_wait3A_106 = arith.constant 0 : i32
    %dma_wait3A_107 = arith.constant 0 : i32
    %dma_wait3A_108 = tpu.memref_slice %arg4[%dma_wait3A_106, %dma_wait3A_107] : memref<1000000x64xf32, #tpu.memory_space<hbm>> -> memref<1000000x64xf32, #tpu.memory_space<hbm>>
    tpu.wait_indirect_dma semaphore(%arg12 : memref<!tpu.dma_semaphore, #tpu.memory_space<semaphore_mem>>) src(%dma_wait3A_108 : memref<1000000x64xf32, #tpu.memory_space<hbm>>) dst(%dma_wait3A_102 : memref<128x64xf32, #tpu.memory_space<vmem>>)
    %dma_wait3A_109 = arith.constant 1 : i32
    %dma_wait3A_110 = arith.constant 128 : i32
    %dma_wait3A_111 = arith.constant 0 : i32
    %dma_wait3A_112 = tpu.memref_slice %arg10[%dma_wait3A_110, %dma_wait3A_111] : memref<512x64xf32, #tpu.memory_space<vmem>> -> memref<128x64xf32, #tpu.memory_space<vmem>>
    %dma_wait3A_113 = arith.constant 0 : i32
    %dma_wait3A_114 = tpu.memref_slice %arg8[%dma_wait3A_109, %dma_wait3A_113] : memref<4x128xi32, #tpu.memory_space<vmem>> -> memref<1x128xi32, #tpu.memory_space<vmem>>
    %dma_wait3A_115 = tpu.memref_squeeze %dma_wait3A_114 : memref<1x128xi32, #tpu.memory_space<vmem>> -> memref<128xi32, #tpu.memory_space<vmem>>
    %dma_wait3A_116 = arith.constant 0 : i32
    %dma_wait3A_117 = arith.constant 0 : i32
    %dma_wait3A_118 = tpu.memref_slice %arg5[%dma_wait3A_116, %dma_wait3A_117] : memref<1000000x64xf32, #tpu.memory_space<hbm>> -> memref<1000000x64xf32, #tpu.memory_space<hbm>>
    tpu.wait_indirect_dma semaphore(%arg12 : memref<!tpu.dma_semaphore, #tpu.memory_space<semaphore_mem>>) src(%dma_wait3A_118 : memref<1000000x64xf32, #tpu.memory_space<hbm>>) dst(%dma_wait3A_112 : memref<128x64xf32, #tpu.memory_space<vmem>>)
    %dma_wait3A_119 = arith.constant 2 : i32
    %dma_wait3A_120 = arith.constant 256 : i32
    %dma_wait3A_121 = arith.constant 0 : i32
    %dma_wait3A_122 = tpu.memref_slice %arg9[%dma_wait3A_120, %dma_wait3A_121] : memref<512x64xf32, #tpu.memory_space<vmem>> -> memref<128x64xf32, #tpu.memory_space<vmem>>
    %dma_wait3A_123 = arith.constant 0 : i32
    %dma_wait3A_124 = tpu.memref_slice %arg7[%dma_wait3A_119, %dma_wait3A_123] : memref<4x128xi32, #tpu.memory_space<vmem>> -> memref<1x128xi32, #tpu.memory_space<vmem>>
    %dma_wait3A_125 = tpu.memref_squeeze %dma_wait3A_124 : memref<1x128xi32, #tpu.memory_space<vmem>> -> memref<128xi32, #tpu.memory_space<vmem>>
    %dma_wait3A_126 = arith.constant 0 : i32
    %dma_wait3A_127 = arith.constant 0 : i32
    %dma_wait3A_128 = tpu.memref_slice %arg4[%dma_wait3A_126, %dma_wait3A_127] : memref<1000000x64xf32, #tpu.memory_space<hbm>> -> memref<1000000x64xf32, #tpu.memory_space<hbm>>
    tpu.wait_indirect_dma semaphore(%arg12 : memref<!tpu.dma_semaphore, #tpu.memory_space<semaphore_mem>>) src(%dma_wait3A_128 : memref<1000000x64xf32, #tpu.memory_space<hbm>>) dst(%dma_wait3A_122 : memref<128x64xf32, #tpu.memory_space<vmem>>)
    %dma_wait3A_129 = arith.constant 2 : i32
    %dma_wait3A_130 = arith.constant 256 : i32
    %dma_wait3A_131 = arith.constant 0 : i32
    %dma_wait3A_132 = tpu.memref_slice %arg10[%dma_wait3A_130, %dma_wait3A_131] : memref<512x64xf32, #tpu.memory_space<vmem>> -> memref<128x64xf32, #tpu.memory_space<vmem>>
    %dma_wait3A_133 = arith.constant 0 : i32
    %dma_wait3A_134 = tpu.memref_slice %arg8[%dma_wait3A_129, %dma_wait3A_133] : memref<4x128xi32, #tpu.memory_space<vmem>> -> memref<1x128xi32, #tpu.memory_space<vmem>>
    %dma_wait3A_135 = tpu.memref_squeeze %dma_wait3A_134 : memref<1x128xi32, #tpu.memory_space<vmem>> -> memref<128xi32, #tpu.memory_space<vmem>>
    %dma_wait3A_136 = arith.constant 0 : i32
    %dma_wait3A_137 = arith.constant 0 : i32
    %dma_wait3A_138 = tpu.memref_slice %arg5[%dma_wait3A_136, %dma_wait3A_137] : memref<1000000x64xf32, #tpu.memory_space<hbm>> -> memref<1000000x64xf32, #tpu.memory_space<hbm>>
    tpu.wait_indirect_dma semaphore(%arg12 : memref<!tpu.dma_semaphore, #tpu.memory_space<semaphore_mem>>) src(%dma_wait3A_138 : memref<1000000x64xf32, #tpu.memory_space<hbm>>) dst(%dma_wait3A_132 : memref<128x64xf32, #tpu.memory_space<vmem>>)
    %dma_wait3A_139 = arith.constant 3 : i32
    %dma_wait3A_140 = arith.constant 384 : i32
    %dma_wait3A_141 = arith.constant 0 : i32
    %dma_wait3A_142 = tpu.memref_slice %arg9[%dma_wait3A_140, %dma_wait3A_141] : memref<512x64xf32, #tpu.memory_space<vmem>> -> memref<128x64xf32, #tpu.memory_space<vmem>>
    %dma_wait3A_143 = arith.constant 0 : i32
    %dma_wait3A_144 = tpu.memref_slice %arg7[%dma_wait3A_139, %dma_wait3A_143] : memref<4x128xi32, #tpu.memory_space<vmem>> -> memref<1x128xi32, #tpu.memory_space<vmem>>
    %dma_wait3A_145 = tpu.memref_squeeze %dma_wait3A_144 : memref<1x128xi32, #tpu.memory_space<vmem>> -> memref<128xi32, #tpu.memory_space<vmem>>
    %dma_wait3A_146 = arith.constant 0 : i32
    %dma_wait3A_147 = arith.constant 0 : i32
    %dma_wait3A_148 = tpu.memref_slice %arg4[%dma_wait3A_146, %dma_wait3A_147] : memref<1000000x64xf32, #tpu.memory_space<hbm>> -> memref<1000000x64xf32, #tpu.memory_space<hbm>>
    tpu.wait_indirect_dma semaphore(%arg12 : memref<!tpu.dma_semaphore, #tpu.memory_space<semaphore_mem>>) src(%dma_wait3A_148 : memref<1000000x64xf32, #tpu.memory_space<hbm>>) dst(%dma_wait3A_142 : memref<128x64xf32, #tpu.memory_space<vmem>>)
    %dma_wait3A_149 = arith.constant 3 : i32
    %dma_wait3A_150 = arith.constant 384 : i32
    %dma_wait3A_151 = arith.constant 0 : i32
    %dma_wait3A_152 = tpu.memref_slice %arg10[%dma_wait3A_150, %dma_wait3A_151] : memref<512x64xf32, #tpu.memory_space<vmem>> -> memref<128x64xf32, #tpu.memory_space<vmem>>
    %dma_wait3A_153 = arith.constant 0 : i32
    %dma_wait3A_154 = tpu.memref_slice %arg8[%dma_wait3A_149, %dma_wait3A_153] : memref<4x128xi32, #tpu.memory_space<vmem>> -> memref<1x128xi32, #tpu.memory_space<vmem>>
    %dma_wait3A_155 = tpu.memref_squeeze %dma_wait3A_154 : memref<1x128xi32, #tpu.memory_space<vmem>> -> memref<128xi32, #tpu.memory_space<vmem>>
    %dma_wait3A_156 = arith.constant 0 : i32
    %dma_wait3A_157 = arith.constant 0 : i32
    %dma_wait3A_158 = tpu.memref_slice %arg5[%dma_wait3A_156, %dma_wait3A_157] : memref<1000000x64xf32, #tpu.memory_space<hbm>> -> memref<1000000x64xf32, #tpu.memory_space<hbm>>
    tpu.wait_indirect_dma semaphore(%arg12 : memref<!tpu.dma_semaphore, #tpu.memory_space<semaphore_mem>>) src(%dma_wait3A_158 : memref<1000000x64xf32, #tpu.memory_space<hbm>>) dst(%dma_wait3A_152 : memref<128x64xf32, #tpu.memory_space<vmem>>)
    %iota3A = tpu.iota {dimensions = array<i32: 0>} : vector<16xi32>
    %scan3A = arith.constant 0 : i32
    %scan3A_159 = arith.constant 0 : i32
    %scan3A_160 = arith.constant 32 : i32
    %scan3A_161 = arith.addi %scan3A_159, %scan3A_160 : i32
    %scan3A_162 = arith.constant 1 : i32
    scf.for %scan3A_166 = %scan3A_159 to %scan3A_161 step %scan3A_162  : i32 {
      %mul3A_167 = arith.constant 16 : i32
      %mul3A_168 = arith.muli %scan3A_166, %mul3A_167 : i32
      %multiple_of3A = tpu.assume_multiple %mul3A_168, 16 : i32
      %broadcast_in_dim3A = arith.constant 0.000000e+00 : f32
      %broadcast_in_dim3A_169 = vector.broadcast %broadcast_in_dim3A : f32 to vector<16xf32>
      %add3A_170 = arith.constant 0 : i32
      %add3A_171 = arith.addi %multiple_of3A, %add3A_170 : i32
      %broadcast_in_dim3A_172 = arith.constant 0.000000e+00 : f32
      %broadcast_in_dim3A_173 = vector.broadcast %broadcast_in_dim3A_172 : f32 to vector<16xf32>
      %get3A = arith.index_cast %add3A_171 : i32 to index
      %get3A_174 = arith.constant 0 : index
      %get3A_175 = tpu.vector_load %arg9[%get3A, %get3A_174] {strides = array<i32>} : memref<512x64xf32, #tpu.memory_space<vmem>>, vector<1x16xf32>,
      %get3A_176 = vector.shape_cast %get3A_175 : vector<1x16xf32> to vector<16xf32>
      %get3A_177 = arith.index_cast %add3A_171 : i32 to index
      %get3A_178 = arith.constant 0 : index
      %get3A_179 = tpu.vector_load %arg10[%get3A_177, %get3A_178] {strides = array<i32>} : memref<512x64xf32, #tpu.memory_space<vmem>>, vector<1x16xf32>,
      %get3A_180 = vector.shape_cast %get3A_179 : vector<1x16xf32> to vector<16xf32>
      %mul3A_181 = arith.mulf %get3A_176, %get3A_180 : vector<16xf32>
      %add3A_182 = arith.addf %broadcast_in_dim3A_173, %mul3A_181 : vector<16xf32>
      %get3A_183 = arith.index_cast %add3A_171 : i32 to index
      %get3A_184 = arith.constant 16 : index
      %get3A_185 = tpu.vector_load %arg9[%get3A_183, %get3A_184] {strides = array<i32>} : memref<512x64xf32, #tpu.memory_space<vmem>>, vector<1x16xf32>,
      %get3A_186 = vector.shape_cast %get3A_185 : vector<1x16xf32> to vector<16xf32>
      %get3A_187 = arith.index_cast %add3A_171 : i32 to index
      %get3A_188 = arith.constant 16 : index
      %get3A_189 = tpu.vector_load %arg10[%get3A_187, %get3A_188] {strides = array<i32>} : memref<512x64xf32, #tpu.memory_space<vmem>>, vector<1x16xf32>,
      %get3A_190 = vector.shape_cast %get3A_189 : vector<1x16xf32> to vector<16xf32>
      %mul3A_191 = arith.mulf %get3A_186, %get3A_190 : vector<16xf32>
      %add3A_192 = arith.addf %add3A_182, %mul3A_191 : vector<16xf32>
      %get3A_193 = arith.index_cast %add3A_171 : i32 to index
      %get3A_194 = arith.constant 32 : index
      %get3A_195 = tpu.vector_load %arg9[%get3A_193, %get3A_194] {strides = array<i32>} : memref<512x64xf32, #tpu.memory_space<vmem>>, vector<1x16xf32>,
      %get3A_196 = vector.shape_cast %get3A_195 : vector<1x16xf32> to vector<16xf32>
      %get3A_197 = arith.index_cast %add3A_171 : i32 to index
      %get3A_198 = arith.constant 32 : index
      %get3A_199 = tpu.vector_load %arg10[%get3A_197, %get3A_198] {strides = array<i32>} : memref<512x64xf32, #tpu.memory_space<vmem>>, vector<1x16xf32>,
      %get3A_200 = vector.shape_cast %get3A_199 : vector<1x16xf32> to vector<16xf32>
      %mul3A_201 = arith.mulf %get3A_196, %get3A_200 : vector<16xf32>
      %add3A_202 = arith.addf %add3A_192, %mul3A_201 : vector<16xf32>
      %get3A_203 = arith.index_cast %add3A_171 : i32 to index
      %get3A_204 = arith.constant 48 : index
      %get3A_205 = tpu.vector_load %arg9[%get3A_203, %get3A_204] {strides = array<i32>} : memref<512x64xf32, #tpu.memory_space<vmem>>, vector<1x16xf32>,
      %get3A_206 = vector.shape_cast %get3A_205 : vector<1x16xf32> to vector<16xf32>
      %get3A_207 = arith.index_cast %add3A_171 : i32 to index
      %get3A_208 = arith.constant 48 : index
      %get3A_209 = tpu.vector_load %arg10[%get3A_207, %get3A_208] {strides = array<i32>} : memref<512x64xf32, #tpu.memory_space<vmem>>, vector<1x16xf32>,
      %get3A_210 = vector.shape_cast %get3A_209 : vector<1x16xf32> to vector<16xf32>
      %mul3A_211 = arith.mulf %get3A_206, %get3A_210 : vector<16xf32>
      %add3A_212 = arith.addf %add3A_202, %mul3A_211 : vector<16xf32>
      %xor3A = arith.constant 8 : i32
      %xor3A_213 = vector.broadcast %xor3A : i32 to vector<16xi32>
      %xor3A_214 = arith.xori %iota3A, %xor3A_213 : vector<16xi32>
      %broadcast_in_dim3A_215 = vector.shape_cast %xor3A_214 : vector<16xi32> to vector<16x1xi32>
      %gather3A = vector.shape_cast %broadcast_in_dim3A_215 : vector<16x1xi32> to vector<16xi32>
      %gather3A_216 = tpu.dynamic_gather %add3A_212[%gather3A] in [0] : vector<16xf32>, vector<16xi32> -> vector<16xf32>
      %add3A_217 = arith.addf %add3A_212, %gather3A_216 : vector<16xf32>
      %xor3A_218 = arith.constant 4 : i32
      %xor3A_219 = vector.broadcast %xor3A_218 : i32 to vector<16xi32>
      %xor3A_220 = arith.xori %iota3A, %xor3A_219 : vector<16xi32>
      %broadcast_in_dim3A_221 = vector.shape_cast %xor3A_220 : vector<16xi32> to vector<16x1xi32>
      %gather3A_222 = vector.shape_cast %broadcast_in_dim3A_221 : vector<16x1xi32> to vector<16xi32>
      %gather3A_223 = tpu.dynamic_gather %add3A_217[%gather3A_222] in [0] : vector<16xf32>, vector<16xi32> -> vector<16xf32>
      %add3A_224 = arith.addf %add3A_217, %gather3A_223 : vector<16xf32>
      %xor3A_225 = arith.constant 2 : i32
      %xor3A_226 = vector.broadcast %xor3A_225 : i32 to vector<16xi32>
      %xor3A_227 = arith.xori %iota3A, %xor3A_226 : vector<16xi32>
      %broadcast_in_dim3A_228 = vector.shape_cast %xor3A_227 : vector<16xi32> to vector<16x1xi32>
      %gather3A_229 = vector.shape_cast %broadcast_in_dim3A_228 : vector<16x1xi32> to vector<16xi32>
      %gather3A_230 = tpu.dynamic_gather %add3A_224[%gather3A_229] in [0] : vector<16xf32>, vector<16xi32> -> vector<16xf32>
      %add3A_231 = arith.addf %add3A_224, %gather3A_230 : vector<16xf32>
      %xor3A_232 = arith.constant 1 : i32
      %xor3A_233 = vector.broadcast %xor3A_232 : i32 to vector<16xi32>
      %xor3A_234 = arith.xori %iota3A, %xor3A_233 : vector<16xi32>
      %broadcast_in_dim3A_235 = vector.shape_cast %xor3A_234 : vector<16xi32> to vector<16x1xi32>
      %gather3A_236 = vector.shape_cast %broadcast_in_dim3A_235 : vector<16x1xi32> to vector<16xi32>
      %gather3A_237 = tpu.dynamic_gather %add3A_231[%gather3A_236] in [0] : vector<16xf32>, vector<16xi32> -> vector<16xf32>
      %add3A_238 = arith.addf %add3A_231, %gather3A_237 : vector<16xf32>
      %eq3A = arith.constant 0 : i32
      %eq3A_239 = vector.broadcast %eq3A : i32 to vector<16xi32>
      %eq3A_240 = arith.cmpi eq, %iota3A, %eq3A_239 : vector<16xi32>
      %select_n3A = arith.select %eq3A_240, %add3A_238, %broadcast_in_dim3A_169 : vector<16xi1>, vector<16xf32>
      %add3A_241 = arith.constant 1 : i32
      %add3A_242 = arith.addi %multiple_of3A, %add3A_241 : i32
      %broadcast_in_dim3A_243 = arith.constant 0.000000e+00 : f32
      %broadcast_in_dim3A_244 = vector.broadcast %broadcast_in_dim3A_243 : f32 to vector<16xf32>
      %get3A_245 = arith.index_cast %add3A_242 : i32 to index
      %get3A_246 = arith.constant 0 : index
      %get3A_247 = tpu.vector_load %arg9[%get3A_245, %get3A_246] {strides = array<i32>} : memref<512x64xf32, #tpu.memory_space<vmem>>, vector<1x16xf32>,
      %get3A_248 = vector.shape_cast %get3A_247 : vector<1x16xf32> to vector<16xf32>
      %get3A_249 = arith.index_cast %add3A_242 : i32 to index
      %get3A_250 = arith.constant 0 : index
      %get3A_251 = tpu.vector_load %arg10[%get3A_249, %get3A_250] {strides = array<i32>} : memref<512x64xf32, #tpu.memory_space<vmem>>, vector<1x16xf32>,
      %get3A_252 = vector.shape_cast %get3A_251 : vector<1x16xf32> to vector<16xf32>
      %mul3A_253 = arith.mulf %get3A_248, %get3A_252 : vector<16xf32>
      %add3A_254 = arith.addf %broadcast_in_dim3A_244, %mul3A_253 : vector<16xf32>
      %get3A_255 = arith.index_cast %add3A_242 : i32 to index
      %get3A_256 = arith.constant 16 : index
      %get3A_257 = tpu.vector_load %arg9[%get3A_255, %get3A_256] {strides = array<i32>} : memref<512x64xf32, #tpu.memory_space<vmem>>, vector<1x16xf32>,
      %get3A_258 = vector.shape_cast %get3A_257 : vector<1x16xf32> to vector<16xf32>
      %get3A_259 = arith.index_cast %add3A_242 : i32 to index
      %get3A_260 = arith.constant 16 : index
      %get3A_261 = tpu.vector_load %arg10[%get3A_259, %get3A_260] {strides = array<i32>} : memref<512x64xf32, #tpu.memory_space<vmem>>, vector<1x16xf32>,
      %get3A_262 = vector.shape_cast %get3A_261 : vector<1x16xf32> to vector<16xf32>
      %mul3A_263 = arith.mulf %get3A_258, %get3A_262 : vector<16xf32>
      %add3A_264 = arith.addf %add3A_254, %mul3A_263 : vector<16xf32>
      %get3A_265 = arith.index_cast %add3A_242 : i32 to index
      %get3A_266 = arith.constant 32 : index
      %get3A_267 = tpu.vector_load %arg9[%get3A_265, %get3A_266] {strides = array<i32>} : memref<512x64xf32, #tpu.memory_space<vmem>>, vector<1x16xf32>,
      %get3A_268 = vector.shape_cast %get3A_267 : vector<1x16xf32> to vector<16xf32>
      %get3A_269 = arith.index_cast %add3A_242 : i32 to index
      %get3A_270 = arith.constant 32 : index
      %get3A_271 = tpu.vector_load %arg10[%get3A_269, %get3A_270] {strides = array<i32>} : memref<512x64xf32, #tpu.memory_space<vmem>>, vector<1x16xf32>,
      %get3A_272 = vector.shape_cast %get3A_271 : vector<1x16xf32> to vector<16xf32>
      %mul3A_273 = arith.mulf %get3A_268, %get3A_272 : vector<16xf32>
      %add3A_274 = arith.addf %add3A_264, %mul3A_273 : vector<16xf32>
      %get3A_275 = arith.index_cast %add3A_242 : i32 to index
      %get3A_276 = arith.constant 48 : index
      %get3A_277 = tpu.vector_load %arg9[%get3A_275, %get3A_276] {strides = array<i32>} : memref<512x64xf32, #tpu.memory_space<vmem>>, vector<1x16xf32>,
      %get3A_278 = vector.shape_cast %get3A_277 : vector<1x16xf32> to vector<16xf32>
      %get3A_279 = arith.index_cast %add3A_242 : i32 to index
      %get3A_280 = arith.constant 48 : index
      %get3A_281 = tpu.vector_load %arg10[%get3A_279, %get3A_280] {strides = array<i32>} : memref<512x64xf32, #tpu.memory_space<vmem>>, vector<1x16xf32>,
      %get3A_282 = vector.shape_cast %get3A_281 : vector<1x16xf32> to vector<16xf32>
      %mul3A_283 = arith.mulf %get3A_278, %get3A_282 : vector<16xf32>
      %add3A_284 = arith.addf %add3A_274, %mul3A_283 : vector<16xf32>
      %xor3A_285 = arith.constant 8 : i32
      %xor3A_286 = vector.broadcast %xor3A_285 : i32 to vector<16xi32>
      %xor3A_287 = arith.xori %iota3A, %xor3A_286 : vector<16xi32>
      %broadcast_in_dim3A_288 = vector.shape_cast %xor3A_287 : vector<16xi32> to vector<16x1xi32>
      %gather3A_289 = vector.shape_cast %broadcast_in_dim3A_288 : vector<16x1xi32> to vector<16xi32>
      %gather3A_290 = tpu.dynamic_gather %add3A_284[%gather3A_289] in [0] : vector<16xf32>, vector<16xi32> -> vector<16xf32>
      %add3A_291 = arith.addf %add3A_284, %gather3A_290 : vector<16xf32>
      %xor3A_292 = arith.constant 4 : i32
      %xor3A_293 = vector.broadcast %xor3A_292 : i32 to vector<16xi32>
      %xor3A_294 = arith.xori %iota3A, %xor3A_293 : vector<16xi32>
      %broadcast_in_dim3A_295 = vector.shape_cast %xor3A_294 : vector<16xi32> to vector<16x1xi32>
      %gather3A_296 = vector.shape_cast %broadcast_in_dim3A_295 : vector<16x1xi32> to vector<16xi32>
      %gather3A_297 = tpu.dynamic_gather %add3A_291[%gather3A_296] in [0] : vector<16xf32>, vector<16xi32> -> vector<16xf32>
      %add3A_298 = arith.addf %add3A_291, %gather3A_297 : vector<16xf32>
      %xor3A_299 = arith.constant 2 : i32
      %xor3A_300 = vector.broadcast %xor3A_299 : i32 to vector<16xi32>
      %xor3A_301 = arith.xori %iota3A, %xor3A_300 : vector<16xi32>
      %broadcast_in_dim3A_302 = vector.shape_cast %xor3A_301 : vector<16xi32> to vector<16x1xi32>
      %gather3A_303 = vector.shape_cast %broadcast_in_dim3A_302 : vector<16x1xi32> to vector<16xi32>
      %gather3A_304 = tpu.dynamic_gather %add3A_298[%gather3A_303] in [0] : vector<16xf32>, vector<16xi32> -> vector<16xf32>
      %add3A_305 = arith.addf %add3A_298, %gather3A_304 : vector<16xf32>
      %xor3A_306 = arith.constant 1 : i32
      %xor3A_307 = vector.broadcast %xor3A_306 : i32 to vector<16xi32>
      %xor3A_308 = arith.xori %iota3A, %xor3A_307 : vector<16xi32>
      %broadcast_in_dim3A_309 = vector.shape_cast %xor3A_308 : vector<16xi32> to vector<16x1xi32>
      %gather3A_310 = vector.shape_cast %broadcast_in_dim3A_309 : vector<16x1xi32> to vector<16xi32>
      %gather3A_311 = tpu.dynamic_gather %add3A_305[%gather3A_310] in [0] : vector<16xf32>, vector<16xi32> -> vector<16xf32>
      %add3A_312 = arith.addf %add3A_305, %gather3A_311 : vector<16xf32>
      %eq3A_313 = arith.constant 1 : i32
      %eq3A_314 = vector.broadcast %eq3A_313 : i32 to vector<16xi32>
      %eq3A_315 = arith.cmpi eq, %iota3A, %eq3A_314 : vector<16xi32>
      %select_n3A_316 = arith.select %eq3A_315, %add3A_312, %select_n3A : vector<16xi1>, vector<16xf32>
      %add3A_317 = arith.constant 2 : i32
      %add3A_318 = arith.addi %multiple_of3A, %add3A_317 : i32
      %broadcast_in_dim3A_319 = arith.constant 0.000000e+00 : f32
      %broadcast_in_dim3A_320 = vector.broadcast %broadcast_in_dim3A_319 : f32 to vector<16xf32>
      %get3A_321 = arith.index_cast %add3A_318 : i32 to index
      %get3A_322 = arith.constant 0 : index
      %get3A_323 = tpu.vector_load %arg9[%get3A_321, %get3A_322] {strides = array<i32>} : memref<512x64xf32, #tpu.memory_space<vmem>>, vector<1x16xf32>,
      %get3A_324 = vector.shape_cast %get3A_323 : vector<1x16xf32> to vector<16xf32>
      %get3A_325 = arith.index_cast %add3A_318 : i32 to index
      %get3A_326 = arith.constant 0 : index
      %get3A_327 = tpu.vector_load %arg10[%get3A_325, %get3A_326] {strides = array<i32>} : memref<512x64xf32, #tpu.memory_space<vmem>>, vector<1x16xf32>,
      %get3A_328 = vector.shape_cast %get3A_327 : vector<1x16xf32> to vector<16xf32>
      %mul3A_329 = arith.mulf %get3A_324, %get3A_328 : vector<16xf32>
      %add3A_330 = arith.addf %broadcast_in_dim3A_320, %mul3A_329 : vector<16xf32>
      %get3A_331 = arith.index_cast %add3A_318 : i32 to index
      %get3A_332 = arith.constant 16 : index
      %get3A_333 = tpu.vector_load %arg9[%get3A_331, %get3A_332] {strides = array<i32>} : memref<512x64xf32, #tpu.memory_space<vmem>>, vector<1x16xf32>,
      %get3A_334 = vector.shape_cast %get3A_333 : vector<1x16xf32> to vector<16xf32>
      %get3A_335 = arith.index_cast %add3A_318 : i32 to index
      %get3A_336 = arith.constant 16 : index
      %get3A_337 = tpu.vector_load %arg10[%get3A_335, %get3A_336] {strides = array<i32>} : memref<512x64xf32, #tpu.memory_space<vmem>>, vector<1x16xf32>,
      %get3A_338 = vector.shape_cast %get3A_337 : vector<1x16xf32> to vector<16xf32>
      %mul3A_339 = arith.mulf %get3A_334, %get3A_338 : vector<16xf32>
      %add3A_340 = arith.addf %add3A_330, %mul3A_339 : vector<16xf32>
      %get3A_341 = arith.index_cast %add3A_318 : i32 to index
      %get3A_342 = arith.constant 32 : index
      %get3A_343 = tpu.vector_load %arg9[%get3A_341, %get3A_342] {strides = array<i32>} : memref<512x64xf32, #tpu.memory_space<vmem>>, vector<1x16xf32>,
      %get3A_344 = vector.shape_cast %get3A_343 : vector<1x16xf32> to vector<16xf32>
      %get3A_345 = arith.index_cast %add3A_318 : i32 to index
      %get3A_346 = arith.constant 32 : index
      %get3A_347 = tpu.vector_load %arg10[%get3A_345, %get3A_346] {strides = array<i32>} : memref<512x64xf32, #tpu.memory_space<vmem>>, vector<1x16xf32>,
      %get3A_348 = vector.shape_cast %get3A_347 : vector<1x16xf32> to vector<16xf32>
      %mul3A_349 = arith.mulf %get3A_344, %get3A_348 : vector<16xf32>
      %add3A_350 = arith.addf %add3A_340, %mul3A_349 : vector<16xf32>
      %get3A_351 = arith.index_cast %add3A_318 : i32 to index
      %get3A_352 = arith.constant 48 : index
      %get3A_353 = tpu.vector_load %arg9[%get3A_351, %get3A_352] {strides = array<i32>} : memref<512x64xf32, #tpu.memory_space<vmem>>, vector<1x16xf32>,
      %get3A_354 = vector.shape_cast %get3A_353 : vector<1x16xf32> to vector<16xf32>
      %get3A_355 = arith.index_cast %add3A_318 : i32 to index
      %get3A_356 = arith.constant 48 : index
      %get3A_357 = tpu.vector_load %arg10[%get3A_355, %get3A_356] {strides = array<i32>} : memref<512x64xf32, #tpu.memory_space<vmem>>, vector<1x16xf32>,
      %get3A_358 = vector.shape_cast %get3A_357 : vector<1x16xf32> to vector<16xf32>
      %mul3A_359 = arith.mulf %get3A_354, %get3A_358 : vector<16xf32>
      %add3A_360 = arith.addf %add3A_350, %mul3A_359 : vector<16xf32>
      %xor3A_361 = arith.constant 8 : i32
      %xor3A_362 = vector.broadcast %xor3A_361 : i32 to vector<16xi32>
      %xor3A_363 = arith.xori %iota3A, %xor3A_362 : vector<16xi32>
      %broadcast_in_dim3A_364 = vector.shape_cast %xor3A_363 : vector<16xi32> to vector<16x1xi32>
      %gather3A_365 = vector.shape_cast %broadcast_in_dim3A_364 : vector<16x1xi32> to vector<16xi32>
      %gather3A_366 = tpu.dynamic_gather %add3A_360[%gather3A_365] in [0] : vector<16xf32>, vector<16xi32> -> vector<16xf32>
      %add3A_367 = arith.addf %add3A_360, %gather3A_366 : vector<16xf32>
      %xor3A_368 = arith.constant 4 : i32
      %xor3A_369 = vector.broadcast %xor3A_368 : i32 to vector<16xi32>
      %xor3A_370 = arith.xori %iota3A, %xor3A_369 : vector<16xi32>
      %broadcast_in_dim3A_371 = vector.shape_cast %xor3A_370 : vector<16xi32> to vector<16x1xi32>
      %gather3A_372 = vector.shape_cast %broadcast_in_dim3A_371 : vector<16x1xi32> to vector<16xi32>
      %gather3A_373 = tpu.dynamic_gather %add3A_367[%gather3A_372] in [0] : vector<16xf32>, vector<16xi32> -> vector<16xf32>
      %add3A_374 = arith.addf %add3A_367, %gather3A_373 : vector<16xf32>
      %xor3A_375 = arith.constant 2 : i32
      %xor3A_376 = vector.broadcast %xor3A_375 : i32 to vector<16xi32>
      %xor3A_377 = arith.xori %iota3A, %xor3A_376 : vector<16xi32>
      %broadcast_in_dim3A_378 = vector.shape_cast %xor3A_377 : vector<16xi32> to vector<16x1xi32>
      %gather3A_379 = vector.shape_cast %broadcast_in_dim3A_378 : vector<16x1xi32> to vector<16xi32>
      %gather3A_380 = tpu.dynamic_gather %add3A_374[%gather3A_379] in [0] : vector<16xf32>, vector<16xi32> -> vector<16xf32>
      %add3A_381 = arith.addf %add3A_374, %gather3A_380 : vector<16xf32>
      %xor3A_382 = arith.constant 1 : i32
      %xor3A_383 = vector.broadcast %xor3A_382 : i32 to vector<16xi32>
      %xor3A_384 = arith.xori %iota3A, %xor3A_383 : vector<16xi32>
      %broadcast_in_dim3A_385 = vector.shape_cast %xor3A_384 : vector<16xi32> to vector<16x1xi32>
      %gather3A_386 = vector.shape_cast %broadcast_in_dim3A_385 : vector<16x1xi32> to vector<16xi32>
      %gather3A_387 = tpu.dynamic_gather %add3A_381[%gather3A_386] in [0] : vector<16xf32>, vector<16xi32> -> vector<16xf32>
      %add3A_388 = arith.addf %add3A_381, %gather3A_387 : vector<16xf32>
      %eq3A_389 = arith.constant 2 : i32
      %eq3A_390 = vector.broadcast %eq3A_389 : i32 to vector<16xi32>
      %eq3A_391 = arith.cmpi eq, %iota3A, %eq3A_390 : vector<16xi32>
      %select_n3A_392 = arith.select %eq3A_391, %add3A_388, %select_n3A_316 : vector<16xi1>, vector<16xf32>
      %add3A_393 = arith.constant 3 : i32
      %add3A_394 = arith.addi %multiple_of3A, %add3A_393 : i32
      %broadcast_in_dim3A_395 = arith.constant 0.000000e+00 : f32
      %broadcast_in_dim3A_396 = vector.broadcast %broadcast_in_dim3A_395 : f32 to vector<16xf32>
      %get3A_397 = arith.index_cast %add3A_394 : i32 to index
      %get3A_398 = arith.constant 0 : index
      %get3A_399 = tpu.vector_load %arg9[%get3A_397, %get3A_398] {strides = array<i32>} : memref<512x64xf32, #tpu.memory_space<vmem>>, vector<1x16xf32>,
      %get3A_400 = vector.shape_cast %get3A_399 : vector<1x16xf32> to vector<16xf32>
      %get3A_401 = arith.index_cast %add3A_394 : i32 to index
      %get3A_402 = arith.constant 0 : index
      %get3A_403 = tpu.vector_load %arg10[%get3A_401, %get3A_402] {strides = array<i32>} : memref<512x64xf32, #tpu.memory_space<vmem>>, vector<1x16xf32>,
      %get3A_404 = vector.shape_cast %get3A_403 : vector<1x16xf32> to vector<16xf32>
      %mul3A_405 = arith.mulf %get3A_400, %get3A_404 : vector<16xf32>
      %add3A_406 = arith.addf %broadcast_in_dim3A_396, %mul3A_405 : vector<16xf32>
      %get3A_407 = arith.index_cast %add3A_394 : i32 to index
      %get3A_408 = arith.constant 16 : index
      %get3A_409 = tpu.vector_load %arg9[%get3A_407, %get3A_408] {strides = array<i32>} : memref<512x64xf32, #tpu.memory_space<vmem>>, vector<1x16xf32>,
      %get3A_410 = vector.shape_cast %get3A_409 : vector<1x16xf32> to vector<16xf32>
      %get3A_411 = arith.index_cast %add3A_394 : i32 to index
      %get3A_412 = arith.constant 16 : index
      %get3A_413 = tpu.vector_load %arg10[%get3A_411, %get3A_412] {strides = array<i32>} : memref<512x64xf32, #tpu.memory_space<vmem>>, vector<1x16xf32>,
      %get3A_414 = vector.shape_cast %get3A_413 : vector<1x16xf32> to vector<16xf32>
      %mul3A_415 = arith.mulf %get3A_410, %get3A_414 : vector<16xf32>
      %add3A_416 = arith.addf %add3A_406, %mul3A_415 : vector<16xf32>
      %get3A_417 = arith.index_cast %add3A_394 : i32 to index
      %get3A_418 = arith.constant 32 : index
      %get3A_419 = tpu.vector_load %arg9[%get3A_417, %get3A_418] {strides = array<i32>} : memref<512x64xf32, #tpu.memory_space<vmem>>, vector<1x16xf32>,
      %get3A_420 = vector.shape_cast %get3A_419 : vector<1x16xf32> to vector<16xf32>
      %get3A_421 = arith.index_cast %add3A_394 : i32 to index
      %get3A_422 = arith.constant 32 : index
      %get3A_423 = tpu.vector_load %arg10[%get3A_421, %get3A_422] {strides = array<i32>} : memref<512x64xf32, #tpu.memory_space<vmem>>, vector<1x16xf32>,
      %get3A_424 = vector.shape_cast %get3A_423 : vector<1x16xf32> to vector<16xf32>
      %mul3A_425 = arith.mulf %get3A_420, %get3A_424 : vector<16xf32>
      %add3A_426 = arith.addf %add3A_416, %mul3A_425 : vector<16xf32>
      %get3A_427 = arith.index_cast %add3A_394 : i32 to index
      %get3A_428 = arith.constant 48 : index
      %get3A_429 = tpu.vector_load %arg9[%get3A_427, %get3A_428] {strides = array<i32>} : memref<512x64xf32, #tpu.memory_space<vmem>>, vector<1x16xf32>,
      %get3A_430 = vector.shape_cast %get3A_429 : vector<1x16xf32> to vector<16xf32>
      %get3A_431 = arith.index_cast %add3A_394 : i32 to index
      %get3A_432 = arith.constant 48 : index
      %get3A_433 = tpu.vector_load %arg10[%get3A_431, %get3A_432] {strides = array<i32>} : memref<512x64xf32, #tpu.memory_space<vmem>>, vector<1x16xf32>,
      %get3A_434 = vector.shape_cast %get3A_433 : vector<1x16xf32> to vector<16xf32>
      %mul3A_435 = arith.mulf %get3A_430, %get3A_434 : vector<16xf32>
      %add3A_436 = arith.addf %add3A_426, %mul3A_435 : vector<16xf32>
      %xor3A_437 = arith.constant 8 : i32
      %xor3A_438 = vector.broadcast %xor3A_437 : i32 to vector<16xi32>
      %xor3A_439 = arith.xori %iota3A, %xor3A_438 : vector<16xi32>
      %broadcast_in_dim3A_440 = vector.shape_cast %xor3A_439 : vector<16xi32> to vector<16x1xi32>
      %gather3A_441 = vector.shape_cast %broadcast_in_dim3A_440 : vector<16x1xi32> to vector<16xi32>
      %gather3A_442 = tpu.dynamic_gather %add3A_436[%gather3A_441] in [0] : vector<16xf32>, vector<16xi32> -> vector<16xf32>
      %add3A_443 = arith.addf %add3A_436, %gather3A_442 : vector<16xf32>
      %xor3A_444 = arith.constant 4 : i32
      %xor3A_445 = vector.broadcast %xor3A_444 : i32 to vector<16xi32>
      %xor3A_446 = arith.xori %iota3A, %xor3A_445 : vector<16xi32>
      %broadcast_in_dim3A_447 = vector.shape_cast %xor3A_446 : vector<16xi32> to vector<16x1xi32>
      %gather3A_448 = vector.shape_cast %broadcast_in_dim3A_447 : vector<16x1xi32> to vector<16xi32>
      %gather3A_449 = tpu.dynamic_gather %add3A_443[%gather3A_448] in [0] : vector<16xf32>, vector<16xi32> -> vector<16xf32>
      %add3A_450 = arith.addf %add3A_443, %gather3A_449 : vector<16xf32>
      %xor3A_451 = arith.constant 2 : i32
      %xor3A_452 = vector.broadcast %xor3A_451 : i32 to vector<16xi32>
      %xor3A_453 = arith.xori %iota3A, %xor3A_452 : vector<16xi32>
      %broadcast_in_dim3A_454 = vector.shape_cast %xor3A_453 : vector<16xi32> to vector<16x1xi32>
      %gather3A_455 = vector.shape_cast %broadcast_in_dim3A_454 : vector<16x1xi32> to vector<16xi32>
      %gather3A_456 = tpu.dynamic_gather %add3A_450[%gather3A_455] in [0] : vector<16xf32>, vector<16xi32> -> vector<16xf32>
      %add3A_457 = arith.addf %add3A_450, %gather3A_456 : vector<16xf32>
      %xor3A_458 = arith.constant 1 : i32
      %xor3A_459 = vector.broadcast %xor3A_458 : i32 to vector<16xi32>
      %xor3A_460 = arith.xori %iota3A, %xor3A_459 : vector<16xi32>
      %broadcast_in_dim3A_461 = vector.shape_cast %xor3A_460 : vector<16xi32> to vector<16x1xi32>
      %gather3A_462 = vector.shape_cast %broadcast_in_dim3A_461 : vector<16x1xi32> to vector<16xi32>
      %gather3A_463 = tpu.dynamic_gather %add3A_457[%gather3A_462] in [0] : vector<16xf32>, vector<16xi32> -> vector<16xf32>
      %add3A_464 = arith.addf %add3A_457, %gather3A_463 : vector<16xf32>
      %eq3A_465 = arith.constant 3 : i32
      %eq3A_466 = vector.broadcast %eq3A_465 : i32 to vector<16xi32>
      %eq3A_467 = arith.cmpi eq, %iota3A, %eq3A_466 : vector<16xi32>
      %select_n3A_468 = arith.select %eq3A_467, %add3A_464, %select_n3A_392 : vector<16xi1>, vector<16xf32>
      %add3A_469 = arith.constant 4 : i32
      %add3A_470 = arith.addi %multiple_of3A, %add3A_469 : i32
      %broadcast_in_dim3A_471 = arith.constant 0.000000e+00 : f32
      %broadcast_in_dim3A_472 = vector.broadcast %broadcast_in_dim3A_471 : f32 to vector<16xf32>
      %get3A_473 = arith.index_cast %add3A_470 : i32 to index
      %get3A_474 = arith.constant 0 : index
      %get3A_475 = tpu.vector_load %arg9[%get3A_473, %get3A_474] {strides = array<i32>} : memref<512x64xf32, #tpu.memory_space<vmem>>, vector<1x16xf32>,
      %get3A_476 = vector.shape_cast %get3A_475 : vector<1x16xf32> to vector<16xf32>
      %get3A_477 = arith.index_cast %add3A_470 : i32 to index
      %get3A_478 = arith.constant 0 : index
      %get3A_479 = tpu.vector_load %arg10[%get3A_477, %get3A_478] {strides = array<i32>} : memref<512x64xf32, #tpu.memory_space<vmem>>, vector<1x16xf32>,
      %get3A_480 = vector.shape_cast %get3A_479 : vector<1x16xf32> to vector<16xf32>
      %mul3A_481 = arith.mulf %get3A_476, %get3A_480 : vector<16xf32>
      %add3A_482 = arith.addf %broadcast_in_dim3A_472, %mul3A_481 : vector<16xf32>
      %get3A_483 = arith.index_cast %add3A_470 : i32 to index
      %get3A_484 = arith.constant 16 : index
      %get3A_485 = tpu.vector_load %arg9[%get3A_483, %get3A_484] {strides = array<i32>} : memref<512x64xf32, #tpu.memory_space<vmem>>, vector<1x16xf32>,
      %get3A_486 = vector.shape_cast %get3A_485 : vector<1x16xf32> to vector<16xf32>
      %get3A_487 = arith.index_cast %add3A_470 : i32 to index
      %get3A_488 = arith.constant 16 : index
      %get3A_489 = tpu.vector_load %arg10[%get3A_487, %get3A_488] {strides = array<i32>} : memref<512x64xf32, #tpu.memory_space<vmem>>, vector<1x16xf32>,
      %get3A_490 = vector.shape_cast %get3A_489 : vector<1x16xf32> to vector<16xf32>
      %mul3A_491 = arith.mulf %get3A_486, %get3A_490 : vector<16xf32>
      %add3A_492 = arith.addf %add3A_482, %mul3A_491 : vector<16xf32>
      %get3A_493 = arith.index_cast %add3A_470 : i32 to index
      %get3A_494 = arith.constant 32 : index
      %get3A_495 = tpu.vector_load %arg9[%get3A_493, %get3A_494] {strides = array<i32>} : memref<512x64xf32, #tpu.memory_space<vmem>>, vector<1x16xf32>,
      %get3A_496 = vector.shape_cast %get3A_495 : vector<1x16xf32> to vector<16xf32>
      %get3A_497 = arith.index_cast %add3A_470 : i32 to index
      %get3A_498 = arith.constant 32 : index
      %get3A_499 = tpu.vector_load %arg10[%get3A_497, %get3A_498] {strides = array<i32>} : memref<512x64xf32, #tpu.memory_space<vmem>>, vector<1x16xf32>,
      %get3A_500 = vector.shape_cast %get3A_499 : vector<1x16xf32> to vector<16xf32>
      %mul3A_501 = arith.mulf %get3A_496, %get3A_500 : vector<16xf32>
      %add3A_502 = arith.addf %add3A_492, %mul3A_501 : vector<16xf32>
      %get3A_503 = arith.index_cast %add3A_470 : i32 to index
      %get3A_504 = arith.constant 48 : index
      %get3A_505 = tpu.vector_load %arg9[%get3A_503, %get3A_504] {strides = array<i32>} : memref<512x64xf32, #tpu.memory_space<vmem>>, vector<1x16xf32>,
      %get3A_506 = vector.shape_cast %get3A_505 : vector<1x16xf32> to vector<16xf32>
      %get3A_507 = arith.index_cast %add3A_470 : i32 to index
      %get3A_508 = arith.constant 48 : index
      %get3A_509 = tpu.vector_load %arg10[%get3A_507, %get3A_508] {strides = array<i32>} : memref<512x64xf32, #tpu.memory_space<vmem>>, vector<1x16xf32>,
      %get3A_510 = vector.shape_cast %get3A_509 : vector<1x16xf32> to vector<16xf32>
      %mul3A_511 = arith.mulf %get3A_506, %get3A_510 : vector<16xf32>
      %add3A_512 = arith.addf %add3A_502, %mul3A_511 : vector<16xf32>
      %xor3A_513 = arith.constant 8 : i32
      %xor3A_514 = vector.broadcast %xor3A_513 : i32 to vector<16xi32>
      %xor3A_515 = arith.xori %iota3A, %xor3A_514 : vector<16xi32>
      %broadcast_in_dim3A_516 = vector.shape_cast %xor3A_515 : vector<16xi32> to vector<16x1xi32>
      %gather3A_517 = vector.shape_cast %broadcast_in_dim3A_516 : vector<16x1xi32> to vector<16xi32>
      %gather3A_518 = tpu.dynamic_gather %add3A_512[%gather3A_517] in [0] : vector<16xf32>, vector<16xi32> -> vector<16xf32>
      %add3A_519 = arith.addf %add3A_512, %gather3A_518 : vector<16xf32>
      %xor3A_520 = arith.constant 4 : i32
      %xor3A_521 = vector.broadcast %xor3A_520 : i32 to vector<16xi32>
      %xor3A_522 = arith.xori %iota3A, %xor3A_521 : vector<16xi32>
      %broadcast_in_dim3A_523 = vector.shape_cast %xor3A_522 : vector<16xi32> to vector<16x1xi32>
      %gather3A_524 = vector.shape_cast %broadcast_in_dim3A_523 : vector<16x1xi32> to vector<16xi32>
      %gather3A_525 = tpu.dynamic_gather %add3A_519[%gather3A_524] in [0] : vector<16xf32>, vector<16xi32> -> vector<16xf32>
      %add3A_526 = arith.addf %add3A_519, %gather3A_525 : vector<16xf32>
      %xor3A_527 = arith.constant 2 : i32
      %xor3A_528 = vector.broadcast %xor3A_527 : i32 to vector<16xi32>
      %xor3A_529 = arith.xori %iota3A, %xor3A_528 : vector<16xi32>
      %broadcast_in_dim3A_530 = vector.shape_cast %xor3A_529 : vector<16xi32> to vector<16x1xi32>
      %gather3A_531 = vector.shape_cast %broadcast_in_dim3A_530 : vector<16x1xi32> to vector<16xi32>
      %gather3A_532 = tpu.dynamic_gather %add3A_526[%gather3A_531] in [0] : vector<16xf32>, vector<16xi32> -> vector<16xf32>
      %add3A_533 = arith.addf %add3A_526, %gather3A_532 : vector<16xf32>
      %xor3A_534 = arith.constant 1 : i32
      %xor3A_535 = vector.broadcast %xor3A_534 : i32 to vector<16xi32>
      %xor3A_536 = arith.xori %iota3A, %xor3A_535 : vector<16xi32>
      %broadcast_in_dim3A_537 = vector.shape_cast %xor3A_536 : vector<16xi32> to vector<16x1xi32>
      %gather3A_538 = vector.shape_cast %broadcast_in_dim3A_537 : vector<16x1xi32> to vector<16xi32>
      %gather3A_539 = tpu.dynamic_gather %add3A_533[%gather3A_538] in [0] : vector<16xf32>, vector<16xi32> -> vector<16xf32>
      %add3A_540 = arith.addf %add3A_533, %gather3A_539 : vector<16xf32>
      %eq3A_541 = arith.constant 4 : i32
      %eq3A_542 = vector.broadcast %eq3A_541 : i32 to vector<16xi32>
      %eq3A_543 = arith.cmpi eq, %iota3A, %eq3A_542 : vector<16xi32>
      %select_n3A_544 = arith.select %eq3A_543, %add3A_540, %select_n3A_468 : vector<16xi1>, vector<16xf32>
      %add3A_545 = arith.constant 5 : i32
      %add3A_546 = arith.addi %multiple_of3A, %add3A_545 : i32
      %broadcast_in_dim3A_547 = arith.constant 0.000000e+00 : f32
      %broadcast_in_dim3A_548 = vector.broadcast %broadcast_in_dim3A_547 : f32 to vector<16xf32>
      %get3A_549 = arith.index_cast %add3A_546 : i32 to index
      %get3A_550 = arith.constant 0 : index
      %get3A_551 = tpu.vector_load %arg9[%get3A_549, %get3A_550] {strides = array<i32>} : memref<512x64xf32, #tpu.memory_space<vmem>>, vector<1x16xf32>,
      %get3A_552 = vector.shape_cast %get3A_551 : vector<1x16xf32> to vector<16xf32>
      %get3A_553 = arith.index_cast %add3A_546 : i32 to index
      %get3A_554 = arith.constant 0 : index
      %get3A_555 = tpu.vector_load %arg10[%get3A_553, %get3A_554] {strides = array<i32>} : memref<512x64xf32, #tpu.memory_space<vmem>>, vector<1x16xf32>,
      %get3A_556 = vector.shape_cast %get3A_555 : vector<1x16xf32> to vector<16xf32>
      %mul3A_557 = arith.mulf %get3A_552, %get3A_556 : vector<16xf32>
      %add3A_558 = arith.addf %broadcast_in_dim3A_548, %mul3A_557 : vector<16xf32>
      %get3A_559 = arith.index_cast %add3A_546 : i32 to index
      %get3A_560 = arith.constant 16 : index
      %get3A_561 = tpu.vector_load %arg9[%get3A_559, %get3A_560] {strides = array<i32>} : memref<512x64xf32, #tpu.memory_space<vmem>>, vector<1x16xf32>,
      %get3A_562 = vector.shape_cast %get3A_561 : vector<1x16xf32> to vector<16xf32>
      %get3A_563 = arith.index_cast %add3A_546 : i32 to index
      %get3A_564 = arith.constant 16 : index
      %get3A_565 = tpu.vector_load %arg10[%get3A_563, %get3A_564] {strides = array<i32>} : memref<512x64xf32, #tpu.memory_space<vmem>>, vector<1x16xf32>,
      %get3A_566 = vector.shape_cast %get3A_565 : vector<1x16xf32> to vector<16xf32>
      %mul3A_567 = arith.mulf %get3A_562, %get3A_566 : vector<16xf32>
      %add3A_568 = arith.addf %add3A_558, %mul3A_567 : vector<16xf32>
      %get3A_569 = arith.index_cast %add3A_546 : i32 to index
      %get3A_570 = arith.constant 32 : index
      %get3A_571 = tpu.vector_load %arg9[%get3A_569, %get3A_570] {strides = array<i32>} : memref<512x64xf32, #tpu.memory_space<vmem>>, vector<1x16xf32>,
      %get3A_572 = vector.shape_cast %get3A_571 : vector<1x16xf32> to vector<16xf32>
      %get3A_573 = arith.index_cast %add3A_546 : i32 to index
      %get3A_574 = arith.constant 32 : index
      %get3A_575 = tpu.vector_load %arg10[%get3A_573, %get3A_574] {strides = array<i32>} : memref<512x64xf32, #tpu.memory_space<vmem>>, vector<1x16xf32>,
      %get3A_576 = vector.shape_cast %get3A_575 : vector<1x16xf32> to vector<16xf32>
      %mul3A_577 = arith.mulf %get3A_572, %get3A_576 : vector<16xf32>
      %add3A_578 = arith.addf %add3A_568, %mul3A_577 : vector<16xf32>
      %get3A_579 = arith.index_cast %add3A_546 : i32 to index
      %get3A_580 = arith.constant 48 : index
      %get3A_581 = tpu.vector_load %arg9[%get3A_579, %get3A_580] {strides = array<i32>} : memref<512x64xf32, #tpu.memory_space<vmem>>, vector<1x16xf32>,
      %get3A_582 = vector.shape_cast %get3A_581 : vector<1x16xf32> to vector<16xf32>
      %get3A_583 = arith.index_cast %add3A_546 : i32 to index
      %get3A_584 = arith.constant 48 : index
      %get3A_585 = tpu.vector_load %arg10[%get3A_583, %get3A_584] {strides = array<i32>} : memref<512x64xf32, #tpu.memory_space<vmem>>, vector<1x16xf32>,
      %get3A_586 = vector.shape_cast %get3A_585 : vector<1x16xf32> to vector<16xf32>
      %mul3A_587 = arith.mulf %get3A_582, %get3A_586 : vector<16xf32>
      %add3A_588 = arith.addf %add3A_578, %mul3A_587 : vector<16xf32>
      %xor3A_589 = arith.constant 8 : i32
      %xor3A_590 = vector.broadcast %xor3A_589 : i32 to vector<16xi32>
      %xor3A_591 = arith.xori %iota3A, %xor3A_590 : vector<16xi32>
      %broadcast_in_dim3A_592 = vector.shape_cast %xor3A_591 : vector<16xi32> to vector<16x1xi32>
      %gather3A_593 = vector.shape_cast %broadcast_in_dim3A_592 : vector<16x1xi32> to vector<16xi32>
      %gather3A_594 = tpu.dynamic_gather %add3A_588[%gather3A_593] in [0] : vector<16xf32>, vector<16xi32> -> vector<16xf32>
      %add3A_595 = arith.addf %add3A_588, %gather3A_594 : vector<16xf32>
      %xor3A_596 = arith.constant 4 : i32
      %xor3A_597 = vector.broadcast %xor3A_596 : i32 to vector<16xi32>
      %xor3A_598 = arith.xori %iota3A, %xor3A_597 : vector<16xi32>
      %broadcast_in_dim3A_599 = vector.shape_cast %xor3A_598 : vector<16xi32> to vector<16x1xi32>
      %gather3A_600 = vector.shape_cast %broadcast_in_dim3A_599 : vector<16x1xi32> to vector<16xi32>
      %gather3A_601 = tpu.dynamic_gather %add3A_595[%gather3A_600] in [0] : vector<16xf32>, vector<16xi32> -> vector<16xf32>
      %add3A_602 = arith.addf %add3A_595, %gather3A_601 : vector<16xf32>
      %xor3A_603 = arith.constant 2 : i32
      %xor3A_604 = vector.broadcast %xor3A_603 : i32 to vector<16xi32>
      %xor3A_605 = arith.xori %iota3A, %xor3A_604 : vector<16xi32>
      %broadcast_in_dim3A_606 = vector.shape_cast %xor3A_605 : vector<16xi32> to vector<16x1xi32>
      %gather3A_607 = vector.shape_cast %broadcast_in_dim3A_606 : vector<16x1xi32> to vector<16xi32>
      %gather3A_608 = tpu.dynamic_gather %add3A_602[%gather3A_607] in [0] : vector<16xf32>, vector<16xi32> -> vector<16xf32>
      %add3A_609 = arith.addf %add3A_602, %gather3A_608 : vector<16xf32>
      %xor3A_610 = arith.constant 1 : i32
      %xor3A_611 = vector.broadcast %xor3A_610 : i32 to vector<16xi32>
      %xor3A_612 = arith.xori %iota3A, %xor3A_611 : vector<16xi32>
      %broadcast_in_dim3A_613 = vector.shape_cast %xor3A_612 : vector<16xi32> to vector<16x1xi32>
      %gather3A_614 = vector.shape_cast %broadcast_in_dim3A_613 : vector<16x1xi32> to vector<16xi32>
      %gather3A_615 = tpu.dynamic_gather %add3A_609[%gather3A_614] in [0] : vector<16xf32>, vector<16xi32> -> vector<16xf32>
      %add3A_616 = arith.addf %add3A_609, %gather3A_615 : vector<16xf32>
      %eq3A_617 = arith.constant 5 : i32
      %eq3A_618 = vector.broadcast %eq3A_617 : i32 to vector<16xi32>
      %eq3A_619 = arith.cmpi eq, %iota3A, %eq3A_618 : vector<16xi32>
      %select_n3A_620 = arith.select %eq3A_619, %add3A_616, %select_n3A_544 : vector<16xi1>, vector<16xf32>
      %add3A_621 = arith.constant 6 : i32
      %add3A_622 = arith.addi %multiple_of3A, %add3A_621 : i32
      %broadcast_in_dim3A_623 = arith.constant 0.000000e+00 : f32
      %broadcast_in_dim3A_624 = vector.broadcast %broadcast_in_dim3A_623 : f32 to vector<16xf32>
      %get3A_625 = arith.index_cast %add3A_622 : i32 to index
      %get3A_626 = arith.constant 0 : index
      %get3A_627 = tpu.vector_load %arg9[%get3A_625, %get3A_626] {strides = array<i32>} : memref<512x64xf32, #tpu.memory_space<vmem>>, vector<1x16xf32>,
      %get3A_628 = vector.shape_cast %get3A_627 : vector<1x16xf32> to vector<16xf32>
      %get3A_629 = arith.index_cast %add3A_622 : i32 to index
      %get3A_630 = arith.constant 0 : index
      %get3A_631 = tpu.vector_load %arg10[%get3A_629, %get3A_630] {strides = array<i32>} : memref<512x64xf32, #tpu.memory_space<vmem>>, vector<1x16xf32>,
      %get3A_632 = vector.shape_cast %get3A_631 : vector<1x16xf32> to vector<16xf32>
      %mul3A_633 = arith.mulf %get3A_628, %get3A_632 : vector<16xf32>
      %add3A_634 = arith.addf %broadcast_in_dim3A_624, %mul3A_633 : vector<16xf32>
      %get3A_635 = arith.index_cast %add3A_622 : i32 to index
      %get3A_636 = arith.constant 16 : index
      %get3A_637 = tpu.vector_load %arg9[%get3A_635, %get3A_636] {strides = array<i32>} : memref<512x64xf32, #tpu.memory_space<vmem>>, vector<1x16xf32>,
      %get3A_638 = vector.shape_cast %get3A_637 : vector<1x16xf32> to vector<16xf32>
      %get3A_639 = arith.index_cast %add3A_622 : i32 to index
      %get3A_640 = arith.constant 16 : index
      %get3A_641 = tpu.vector_load %arg10[%get3A_639, %get3A_640] {strides = array<i32>} : memref<512x64xf32, #tpu.memory_space<vmem>>, vector<1x16xf32>,
      %get3A_642 = vector.shape_cast %get3A_641 : vector<1x16xf32> to vector<16xf32>
      %mul3A_643 = arith.mulf %get3A_638, %get3A_642 : vector<16xf32>
      %add3A_644 = arith.addf %add3A_634, %mul3A_643 : vector<16xf32>
      %get3A_645 = arith.index_cast %add3A_622 : i32 to index
      %get3A_646 = arith.constant 32 : index
      %get3A_647 = tpu.vector_load %arg9[%get3A_645, %get3A_646] {strides = array<i32>} : memref<512x64xf32, #tpu.memory_space<vmem>>, vector<1x16xf32>,
      %get3A_648 = vector.shape_cast %get3A_647 : vector<1x16xf32> to vector<16xf32>
      %get3A_649 = arith.index_cast %add3A_622 : i32 to index
      %get3A_650 = arith.constant 32 : index
      %get3A_651 = tpu.vector_load %arg10[%get3A_649, %get3A_650] {strides = array<i32>} : memref<512x64xf32, #tpu.memory_space<vmem>>, vector<1x16xf32>,
      %get3A_652 = vector.shape_cast %get3A_651 : vector<1x16xf32> to vector<16xf32>
      %mul3A_653 = arith.mulf %get3A_648, %get3A_652 : vector<16xf32>
      %add3A_654 = arith.addf %add3A_644, %mul3A_653 : vector<16xf32>
      %get3A_655 = arith.index_cast %add3A_622 : i32 to index
      %get3A_656 = arith.constant 48 : index
      %get3A_657 = tpu.vector_load %arg9[%get3A_655, %get3A_656] {strides = array<i32>} : memref<512x64xf32, #tpu.memory_space<vmem>>, vector<1x16xf32>,
      %get3A_658 = vector.shape_cast %get3A_657 : vector<1x16xf32> to vector<16xf32>
      %get3A_659 = arith.index_cast %add3A_622 : i32 to index
      %get3A_660 = arith.constant 48 : index
      %get3A_661 = tpu.vector_load %arg10[%get3A_659, %get3A_660] {strides = array<i32>} : memref<512x64xf32, #tpu.memory_space<vmem>>, vector<1x16xf32>,
      %get3A_662 = vector.shape_cast %get3A_661 : vector<1x16xf32> to vector<16xf32>
      %mul3A_663 = arith.mulf %get3A_658, %get3A_662 : vector<16xf32>
      %add3A_664 = arith.addf %add3A_654, %mul3A_663 : vector<16xf32>
      %xor3A_665 = arith.constant 8 : i32
      %xor3A_666 = vector.broadcast %xor3A_665 : i32 to vector<16xi32>
      %xor3A_667 = arith.xori %iota3A, %xor3A_666 : vector<16xi32>
      %broadcast_in_dim3A_668 = vector.shape_cast %xor3A_667 : vector<16xi32> to vector<16x1xi32>
      %gather3A_669 = vector.shape_cast %broadcast_in_dim3A_668 : vector<16x1xi32> to vector<16xi32>
      %gather3A_670 = tpu.dynamic_gather %add3A_664[%gather3A_669] in [0] : vector<16xf32>, vector<16xi32> -> vector<16xf32>
      %add3A_671 = arith.addf %add3A_664, %gather3A_670 : vector<16xf32>
      %xor3A_672 = arith.constant 4 : i32
      %xor3A_673 = vector.broadcast %xor3A_672 : i32 to vector<16xi32>
      %xor3A_674 = arith.xori %iota3A, %xor3A_673 : vector<16xi32>
      %broadcast_in_dim3A_675 = vector.shape_cast %xor3A_674 : vector<16xi32> to vector<16x1xi32>
      %gather3A_676 = vector.shape_cast %broadcast_in_dim3A_675 : vector<16x1xi32> to vector<16xi32>
      %gather3A_677 = tpu.dynamic_gather %add3A_671[%gather3A_676] in [0] : vector<16xf32>, vector<16xi32> -> vector<16xf32>
      %add3A_678 = arith.addf %add3A_671, %gather3A_677 : vector<16xf32>
      %xor3A_679 = arith.constant 2 : i32
      %xor3A_680 = vector.broadcast %xor3A_679 : i32 to vector<16xi32>
      %xor3A_681 = arith.xori %iota3A, %xor3A_680 : vector<16xi32>
      %broadcast_in_dim3A_682 = vector.shape_cast %xor3A_681 : vector<16xi32> to vector<16x1xi32>
      %gather3A_683 = vector.shape_cast %broadcast_in_dim3A_682 : vector<16x1xi32> to vector<16xi32>
      %gather3A_684 = tpu.dynamic_gather %add3A_678[%gather3A_683] in [0] : vector<16xf32>, vector<16xi32> -> vector<16xf32>
      %add3A_685 = arith.addf %add3A_678, %gather3A_684 : vector<16xf32>
      %xor3A_686 = arith.constant 1 : i32
      %xor3A_687 = vector.broadcast %xor3A_686 : i32 to vector<16xi32>
      %xor3A_688 = arith.xori %iota3A, %xor3A_687 : vector<16xi32>
      %broadcast_in_dim3A_689 = vector.shape_cast %xor3A_688 : vector<16xi32> to vector<16x1xi32>
      %gather3A_690 = vector.shape_cast %broadcast_in_dim3A_689 : vector<16x1xi32> to vector<16xi32>
      %gather3A_691 = tpu.dynamic_gather %add3A_685[%gather3A_690] in [0] : vector<16xf32>, vector<16xi32> -> vector<16xf32>
      %add3A_692 = arith.addf %add3A_685, %gather3A_691 : vector<16xf32>
      %eq3A_693 = arith.constant 6 : i32
      %eq3A_694 = vector.broadcast %eq3A_693 : i32 to vector<16xi32>
      %eq3A_695 = arith.cmpi eq, %iota3A, %eq3A_694 : vector<16xi32>
      %select_n3A_696 = arith.select %eq3A_695, %add3A_692, %select_n3A_620 : vector<16xi1>, vector<16xf32>
      %add3A_697 = arith.constant 7 : i32
      %add3A_698 = arith.addi %multiple_of3A, %add3A_697 : i32
      %broadcast_in_dim3A_699 = arith.constant 0.000000e+00 : f32
      %broadcast_in_dim3A_700 = vector.broadcast %broadcast_in_dim3A_699 : f32 to vector<16xf32>
      %get3A_701 = arith.index_cast %add3A_698 : i32 to index
      %get3A_702 = arith.constant 0 : index
      %get3A_703 = tpu.vector_load %arg9[%get3A_701, %get3A_702] {strides = array<i32>} : memref<512x64xf32, #tpu.memory_space<vmem>>, vector<1x16xf32>,
      %get3A_704 = vector.shape_cast %get3A_703 : vector<1x16xf32> to vector<16xf32>
      %get3A_705 = arith.index_cast %add3A_698 : i32 to index
      %get3A_706 = arith.constant 0 : index
      %get3A_707 = tpu.vector_load %arg10[%get3A_705, %get3A_706] {strides = array<i32>} : memref<512x64xf32, #tpu.memory_space<vmem>>, vector<1x16xf32>,
      %get3A_708 = vector.shape_cast %get3A_707 : vector<1x16xf32> to vector<16xf32>
      %mul3A_709 = arith.mulf %get3A_704, %get3A_708 : vector<16xf32>
      %add3A_710 = arith.addf %broadcast_in_dim3A_700, %mul3A_709 : vector<16xf32>
      %get3A_711 = arith.index_cast %add3A_698 : i32 to index
      %get3A_712 = arith.constant 16 : index
      %get3A_713 = tpu.vector_load %arg9[%get3A_711, %get3A_712] {strides = array<i32>} : memref<512x64xf32, #tpu.memory_space<vmem>>, vector<1x16xf32>,
      %get3A_714 = vector.shape_cast %get3A_713 : vector<1x16xf32> to vector<16xf32>
      %get3A_715 = arith.index_cast %add3A_698 : i32 to index
      %get3A_716 = arith.constant 16 : index
      %get3A_717 = tpu.vector_load %arg10[%get3A_715, %get3A_716] {strides = array<i32>} : memref<512x64xf32, #tpu.memory_space<vmem>>, vector<1x16xf32>,
      %get3A_718 = vector.shape_cast %get3A_717 : vector<1x16xf32> to vector<16xf32>
      %mul3A_719 = arith.mulf %get3A_714, %get3A_718 : vector<16xf32>
      %add3A_720 = arith.addf %add3A_710, %mul3A_719 : vector<16xf32>
      %get3A_721 = arith.index_cast %add3A_698 : i32 to index
      %get3A_722 = arith.constant 32 : index
      %get3A_723 = tpu.vector_load %arg9[%get3A_721, %get3A_722] {strides = array<i32>} : memref<512x64xf32, #tpu.memory_space<vmem>>, vector<1x16xf32>,
      %get3A_724 = vector.shape_cast %get3A_723 : vector<1x16xf32> to vector<16xf32>
      %get3A_725 = arith.index_cast %add3A_698 : i32 to index
      %get3A_726 = arith.constant 32 : index
      %get3A_727 = tpu.vector_load %arg10[%get3A_725, %get3A_726] {strides = array<i32>} : memref<512x64xf32, #tpu.memory_space<vmem>>, vector<1x16xf32>,
      %get3A_728 = vector.shape_cast %get3A_727 : vector<1x16xf32> to vector<16xf32>
      %mul3A_729 = arith.mulf %get3A_724, %get3A_728 : vector<16xf32>
      %add3A_730 = arith.addf %add3A_720, %mul3A_729 : vector<16xf32>
      %get3A_731 = arith.index_cast %add3A_698 : i32 to index
      %get3A_732 = arith.constant 48 : index
      %get3A_733 = tpu.vector_load %arg9[%get3A_731, %get3A_732] {strides = array<i32>} : memref<512x64xf32, #tpu.memory_space<vmem>>, vector<1x16xf32>,
      %get3A_734 = vector.shape_cast %get3A_733 : vector<1x16xf32> to vector<16xf32>
      %get3A_735 = arith.index_cast %add3A_698 : i32 to index
      %get3A_736 = arith.constant 48 : index
      %get3A_737 = tpu.vector_load %arg10[%get3A_735, %get3A_736] {strides = array<i32>} : memref<512x64xf32, #tpu.memory_space<vmem>>, vector<1x16xf32>,
      %get3A_738 = vector.shape_cast %get3A_737 : vector<1x16xf32> to vector<16xf32>
      %mul3A_739 = arith.mulf %get3A_734, %get3A_738 : vector<16xf32>
      %add3A_740 = arith.addf %add3A_730, %mul3A_739 : vector<16xf32>
      %xor3A_741 = arith.constant 8 : i32
      %xor3A_742 = vector.broadcast %xor3A_741 : i32 to vector<16xi32>
      %xor3A_743 = arith.xori %iota3A, %xor3A_742 : vector<16xi32>
      %broadcast_in_dim3A_744 = vector.shape_cast %xor3A_743 : vector<16xi32> to vector<16x1xi32>
      %gather3A_745 = vector.shape_cast %broadcast_in_dim3A_744 : vector<16x1xi32> to vector<16xi32>
      %gather3A_746 = tpu.dynamic_gather %add3A_740[%gather3A_745] in [0] : vector<16xf32>, vector<16xi32> -> vector<16xf32>
      %add3A_747 = arith.addf %add3A_740, %gather3A_746 : vector<16xf32>
      %xor3A_748 = arith.constant 4 : i32
      %xor3A_749 = vector.broadcast %xor3A_748 : i32 to vector<16xi32>
      %xor3A_750 = arith.xori %iota3A, %xor3A_749 : vector<16xi32>
      %broadcast_in_dim3A_751 = vector.shape_cast %xor3A_750 : vector<16xi32> to vector<16x1xi32>
      %gather3A_752 = vector.shape_cast %broadcast_in_dim3A_751 : vector<16x1xi32> to vector<16xi32>
      %gather3A_753 = tpu.dynamic_gather %add3A_747[%gather3A_752] in [0] : vector<16xf32>, vector<16xi32> -> vector<16xf32>
      %add3A_754 = arith.addf %add3A_747, %gather3A_753 : vector<16xf32>
      %xor3A_755 = arith.constant 2 : i32
      %xor3A_756 = vector.broadcast %xor3A_755 : i32 to vector<16xi32>
      %xor3A_757 = arith.xori %iota3A, %xor3A_756 : vector<16xi32>
      %broadcast_in_dim3A_758 = vector.shape_cast %xor3A_757 : vector<16xi32> to vector<16x1xi32>
      %gather3A_759 = vector.shape_cast %broadcast_in_dim3A_758 : vector<16x1xi32> to vector<16xi32>
      %gather3A_760 = tpu.dynamic_gather %add3A_754[%gather3A_759] in [0] : vector<16xf32>, vector<16xi32> -> vector<16xf32>
      %add3A_761 = arith.addf %add3A_754, %gather3A_760 : vector<16xf32>
      %xor3A_762 = arith.constant 1 : i32
      %xor3A_763 = vector.broadcast %xor3A_762 : i32 to vector<16xi32>
      %xor3A_764 = arith.xori %iota3A, %xor3A_763 : vector<16xi32>
      %broadcast_in_dim3A_765 = vector.shape_cast %xor3A_764 : vector<16xi32> to vector<16x1xi32>
      %gather3A_766 = vector.shape_cast %broadcast_in_dim3A_765 : vector<16x1xi32> to vector<16xi32>
      %gather3A_767 = tpu.dynamic_gather %add3A_761[%gather3A_766] in [0] : vector<16xf32>, vector<16xi32> -> vector<16xf32>
      %add3A_768 = arith.addf %add3A_761, %gather3A_767 : vector<16xf32>
      %eq3A_769 = arith.constant 7 : i32
      %eq3A_770 = vector.broadcast %eq3A_769 : i32 to vector<16xi32>
      %eq3A_771 = arith.cmpi eq, %iota3A, %eq3A_770 : vector<16xi32>
      %select_n3A_772 = arith.select %eq3A_771, %add3A_768, %select_n3A_696 : vector<16xi1>, vector<16xf32>
      %add3A_773 = arith.constant 8 : i32
      %add3A_774 = arith.addi %multiple_of3A, %add3A_773 : i32
      %broadcast_in_dim3A_775 = arith.constant 0.000000e+00 : f32
      %broadcast_in_dim3A_776 = vector.broadcast %broadcast_in_dim3A_775 : f32 to vector<16xf32>
      %get3A_777 = arith.index_cast %add3A_774 : i32 to index
      %get3A_778 = arith.constant 0 : index
      %get3A_779 = tpu.vector_load %arg9[%get3A_777, %get3A_778] {strides = array<i32>} : memref<512x64xf32, #tpu.memory_space<vmem>>, vector<1x16xf32>,
      %get3A_780 = vector.shape_cast %get3A_779 : vector<1x16xf32> to vector<16xf32>
      %get3A_781 = arith.index_cast %add3A_774 : i32 to index
      %get3A_782 = arith.constant 0 : index
      %get3A_783 = tpu.vector_load %arg10[%get3A_781, %get3A_782] {strides = array<i32>} : memref<512x64xf32, #tpu.memory_space<vmem>>, vector<1x16xf32>,
      %get3A_784 = vector.shape_cast %get3A_783 : vector<1x16xf32> to vector<16xf32>
      %mul3A_785 = arith.mulf %get3A_780, %get3A_784 : vector<16xf32>
      %add3A_786 = arith.addf %broadcast_in_dim3A_776, %mul3A_785 : vector<16xf32>
      %get3A_787 = arith.index_cast %add3A_774 : i32 to index
      %get3A_788 = arith.constant 16 : index
      %get3A_789 = tpu.vector_load %arg9[%get3A_787, %get3A_788] {strides = array<i32>} : memref<512x64xf32, #tpu.memory_space<vmem>>, vector<1x16xf32>,
      %get3A_790 = vector.shape_cast %get3A_789 : vector<1x16xf32> to vector<16xf32>
      %get3A_791 = arith.index_cast %add3A_774 : i32 to index
      %get3A_792 = arith.constant 16 : index
      %get3A_793 = tpu.vector_load %arg10[%get3A_791, %get3A_792] {strides = array<i32>} : memref<512x64xf32, #tpu.memory_space<vmem>>, vector<1x16xf32>,
      %get3A_794 = vector.shape_cast %get3A_793 : vector<1x16xf32> to vector<16xf32>
      %mul3A_795 = arith.mulf %get3A_790, %get3A_794 : vector<16xf32>
      %add3A_796 = arith.addf %add3A_786, %mul3A_795 : vector<16xf32>
      %get3A_797 = arith.index_cast %add3A_774 : i32 to index
      %get3A_798 = arith.constant 32 : index
      %get3A_799 = tpu.vector_load %arg9[%get3A_797, %get3A_798] {strides = array<i32>} : memref<512x64xf32, #tpu.memory_space<vmem>>, vector<1x16xf32>,
      %get3A_800 = vector.shape_cast %get3A_799 : vector<1x16xf32> to vector<16xf32>
      %get3A_801 = arith.index_cast %add3A_774 : i32 to index
      %get3A_802 = arith.constant 32 : index
      %get3A_803 = tpu.vector_load %arg10[%get3A_801, %get3A_802] {strides = array<i32>} : memref<512x64xf32, #tpu.memory_space<vmem>>, vector<1x16xf32>,
      %get3A_804 = vector.shape_cast %get3A_803 : vector<1x16xf32> to vector<16xf32>
      %mul3A_805 = arith.mulf %get3A_800, %get3A_804 : vector<16xf32>
      %add3A_806 = arith.addf %add3A_796, %mul3A_805 : vector<16xf32>
      %get3A_807 = arith.index_cast %add3A_774 : i32 to index
      %get3A_808 = arith.constant 48 : index
      %get3A_809 = tpu.vector_load %arg9[%get3A_807, %get3A_808] {strides = array<i32>} : memref<512x64xf32, #tpu.memory_space<vmem>>, vector<1x16xf32>,
      %get3A_810 = vector.shape_cast %get3A_809 : vector<1x16xf32> to vector<16xf32>
      %get3A_811 = arith.index_cast %add3A_774 : i32 to index
      %get3A_812 = arith.constant 48 : index
      %get3A_813 = tpu.vector_load %arg10[%get3A_811, %get3A_812] {strides = array<i32>} : memref<512x64xf32, #tpu.memory_space<vmem>>, vector<1x16xf32>,
      %get3A_814 = vector.shape_cast %get3A_813 : vector<1x16xf32> to vector<16xf32>
      %mul3A_815 = arith.mulf %get3A_810, %get3A_814 : vector<16xf32>
      %add3A_816 = arith.addf %add3A_806, %mul3A_815 : vector<16xf32>
      %xor3A_817 = arith.constant 8 : i32
      %xor3A_818 = vector.broadcast %xor3A_817 : i32 to vector<16xi32>
      %xor3A_819 = arith.xori %iota3A, %xor3A_818 : vector<16xi32>
      %broadcast_in_dim3A_820 = vector.shape_cast %xor3A_819 : vector<16xi32> to vector<16x1xi32>
      %gather3A_821 = vector.shape_cast %broadcast_in_dim3A_820 : vector<16x1xi32> to vector<16xi32>
      %gather3A_822 = tpu.dynamic_gather %add3A_816[%gather3A_821] in [0] : vector<16xf32>, vector<16xi32> -> vector<16xf32>
      %add3A_823 = arith.addf %add3A_816, %gather3A_822 : vector<16xf32>
      %xor3A_824 = arith.constant 4 : i32
      %xor3A_825 = vector.broadcast %xor3A_824 : i32 to vector<16xi32>
      %xor3A_826 = arith.xori %iota3A, %xor3A_825 : vector<16xi32>
      %broadcast_in_dim3A_827 = vector.shape_cast %xor3A_826 : vector<16xi32> to vector<16x1xi32>
      %gather3A_828 = vector.shape_cast %broadcast_in_dim3A_827 : vector<16x1xi32> to vector<16xi32>
      %gather3A_829 = tpu.dynamic_gather %add3A_823[%gather3A_828] in [0] : vector<16xf32>, vector<16xi32> -> vector<16xf32>
      %add3A_830 = arith.addf %add3A_823, %gather3A_829 : vector<16xf32>
      %xor3A_831 = arith.constant 2 : i32
      %xor3A_832 = vector.broadcast %xor3A_831 : i32 to vector<16xi32>
      %xor3A_833 = arith.xori %iota3A, %xor3A_832 : vector<16xi32>
      %broadcast_in_dim3A_834 = vector.shape_cast %xor3A_833 : vector<16xi32> to vector<16x1xi32>
      %gather3A_835 = vector.shape_cast %broadcast_in_dim3A_834 : vector<16x1xi32> to vector<16xi32>
      %gather3A_836 = tpu.dynamic_gather %add3A_830[%gather3A_835] in [0] : vector<16xf32>, vector<16xi32> -> vector<16xf32>
      %add3A_837 = arith.addf %add3A_830, %gather3A_836 : vector<16xf32>
      %xor3A_838 = arith.constant 1 : i32
      %xor3A_839 = vector.broadcast %xor3A_838 : i32 to vector<16xi32>
      %xor3A_840 = arith.xori %iota3A, %xor3A_839 : vector<16xi32>
      %broadcast_in_dim3A_841 = vector.shape_cast %xor3A_840 : vector<16xi32> to vector<16x1xi32>
      %gather3A_842 = vector.shape_cast %broadcast_in_dim3A_841 : vector<16x1xi32> to vector<16xi32>
      %gather3A_843 = tpu.dynamic_gather %add3A_837[%gather3A_842] in [0] : vector<16xf32>, vector<16xi32> -> vector<16xf32>
      %add3A_844 = arith.addf %add3A_837, %gather3A_843 : vector<16xf32>
      %eq3A_845 = arith.constant 8 : i32
      %eq3A_846 = vector.broadcast %eq3A_845 : i32 to vector<16xi32>
      %eq3A_847 = arith.cmpi eq, %iota3A, %eq3A_846 : vector<16xi32>
      %select_n3A_848 = arith.select %eq3A_847, %add3A_844, %select_n3A_772 : vector<16xi1>, vector<16xf32>
      %add3A_849 = arith.constant 9 : i32
      %add3A_850 = arith.addi %multiple_of3A, %add3A_849 : i32
      %broadcast_in_dim3A_851 = arith.constant 0.000000e+00 : f32
      %broadcast_in_dim3A_852 = vector.broadcast %broadcast_in_dim3A_851 : f32 to vector<16xf32>
      %get3A_853 = arith.index_cast %add3A_850 : i32 to index
      %get3A_854 = arith.constant 0 : index
      %get3A_855 = tpu.vector_load %arg9[%get3A_853, %get3A_854] {strides = array<i32>} : memref<512x64xf32, #tpu.memory_space<vmem>>, vector<1x16xf32>,
      %get3A_856 = vector.shape_cast %get3A_855 : vector<1x16xf32> to vector<16xf32>
      %get3A_857 = arith.index_cast %add3A_850 : i32 to index
      %get3A_858 = arith.constant 0 : index
      %get3A_859 = tpu.vector_load %arg10[%get3A_857, %get3A_858] {strides = array<i32>} : memref<512x64xf32, #tpu.memory_space<vmem>>, vector<1x16xf32>,
      %get3A_860 = vector.shape_cast %get3A_859 : vector<1x16xf32> to vector<16xf32>
      %mul3A_861 = arith.mulf %get3A_856, %get3A_860 : vector<16xf32>
      %add3A_862 = arith.addf %broadcast_in_dim3A_852, %mul3A_861 : vector<16xf32>
      %get3A_863 = arith.index_cast %add3A_850 : i32 to index
      %get3A_864 = arith.constant 16 : index
      %get3A_865 = tpu.vector_load %arg9[%get3A_863, %get3A_864] {strides = array<i32>} : memref<512x64xf32, #tpu.memory_space<vmem>>, vector<1x16xf32>,
      %get3A_866 = vector.shape_cast %get3A_865 : vector<1x16xf32> to vector<16xf32>
      %get3A_867 = arith.index_cast %add3A_850 : i32 to index
      %get3A_868 = arith.constant 16 : index
      %get3A_869 = tpu.vector_load %arg10[%get3A_867, %get3A_868] {strides = array<i32>} : memref<512x64xf32, #tpu.memory_space<vmem>>, vector<1x16xf32>,
      %get3A_870 = vector.shape_cast %get3A_869 : vector<1x16xf32> to vector<16xf32>
      %mul3A_871 = arith.mulf %get3A_866, %get3A_870 : vector<16xf32>
      %add3A_872 = arith.addf %add3A_862, %mul3A_871 : vector<16xf32>
      %get3A_873 = arith.index_cast %add3A_850 : i32 to index
      %get3A_874 = arith.constant 32 : index
      %get3A_875 = tpu.vector_load %arg9[%get3A_873, %get3A_874] {strides = array<i32>} : memref<512x64xf32, #tpu.memory_space<vmem>>, vector<1x16xf32>,
      %get3A_876 = vector.shape_cast %get3A_875 : vector<1x16xf32> to vector<16xf32>
      %get3A_877 = arith.index_cast %add3A_850 : i32 to index
      %get3A_878 = arith.constant 32 : index
      %get3A_879 = tpu.vector_load %arg10[%get3A_877, %get3A_878] {strides = array<i32>} : memref<512x64xf32, #tpu.memory_space<vmem>>, vector<1x16xf32>,
      %get3A_880 = vector.shape_cast %get3A_879 : vector<1x16xf32> to vector<16xf32>
      %mul3A_881 = arith.mulf %get3A_876, %get3A_880 : vector<16xf32>
      %add3A_882 = arith.addf %add3A_872, %mul3A_881 : vector<16xf32>
      %get3A_883 = arith.index_cast %add3A_850 : i32 to index
      %get3A_884 = arith.constant 48 : index
      %get3A_885 = tpu.vector_load %arg9[%get3A_883, %get3A_884] {strides = array<i32>} : memref<512x64xf32, #tpu.memory_space<vmem>>, vector<1x16xf32>,
      %get3A_886 = vector.shape_cast %get3A_885 : vector<1x16xf32> to vector<16xf32>
      %get3A_887 = arith.index_cast %add3A_850 : i32 to index
      %get3A_888 = arith.constant 48 : index
      %get3A_889 = tpu.vector_load %arg10[%get3A_887, %get3A_888] {strides = array<i32>} : memref<512x64xf32, #tpu.memory_space<vmem>>, vector<1x16xf32>,
      %get3A_890 = vector.shape_cast %get3A_889 : vector<1x16xf32> to vector<16xf32>
      %mul3A_891 = arith.mulf %get3A_886, %get3A_890 : vector<16xf32>
      %add3A_892 = arith.addf %add3A_882, %mul3A_891 : vector<16xf32>
      %xor3A_893 = arith.constant 8 : i32
      %xor3A_894 = vector.broadcast %xor3A_893 : i32 to vector<16xi32>
      %xor3A_895 = arith.xori %iota3A, %xor3A_894 : vector<16xi32>
      %broadcast_in_dim3A_896 = vector.shape_cast %xor3A_895 : vector<16xi32> to vector<16x1xi32>
      %gather3A_897 = vector.shape_cast %broadcast_in_dim3A_896 : vector<16x1xi32> to vector<16xi32>
      %gather3A_898 = tpu.dynamic_gather %add3A_892[%gather3A_897] in [0] : vector<16xf32>, vector<16xi32> -> vector<16xf32>
      %add3A_899 = arith.addf %add3A_892, %gather3A_898 : vector<16xf32>
      %xor3A_900 = arith.constant 4 : i32
      %xor3A_901 = vector.broadcast %xor3A_900 : i32 to vector<16xi32>
      %xor3A_902 = arith.xori %iota3A, %xor3A_901 : vector<16xi32>
      %broadcast_in_dim3A_903 = vector.shape_cast %xor3A_902 : vector<16xi32> to vector<16x1xi32>
      %gather3A_904 = vector.shape_cast %broadcast_in_dim3A_903 : vector<16x1xi32> to vector<16xi32>
      %gather3A_905 = tpu.dynamic_gather %add3A_899[%gather3A_904] in [0] : vector<16xf32>, vector<16xi32> -> vector<16xf32>
      %add3A_906 = arith.addf %add3A_899, %gather3A_905 : vector<16xf32>
      %xor3A_907 = arith.constant 2 : i32
      %xor3A_908 = vector.broadcast %xor3A_907 : i32 to vector<16xi32>
      %xor3A_909 = arith.xori %iota3A, %xor3A_908 : vector<16xi32>
      %broadcast_in_dim3A_910 = vector.shape_cast %xor3A_909 : vector<16xi32> to vector<16x1xi32>
      %gather3A_911 = vector.shape_cast %broadcast_in_dim3A_910 : vector<16x1xi32> to vector<16xi32>
      %gather3A_912 = tpu.dynamic_gather %add3A_906[%gather3A_911] in [0] : vector<16xf32>, vector<16xi32> -> vector<16xf32>
      %add3A_913 = arith.addf %add3A_906, %gather3A_912 : vector<16xf32>
      %xor3A_914 = arith.constant 1 : i32
      %xor3A_915 = vector.broadcast %xor3A_914 : i32 to vector<16xi32>
      %xor3A_916 = arith.xori %iota3A, %xor3A_915 : vector<16xi32>
      %broadcast_in_dim3A_917 = vector.shape_cast %xor3A_916 : vector<16xi32> to vector<16x1xi32>
      %gather3A_918 = vector.shape_cast %broadcast_in_dim3A_917 : vector<16x1xi32> to vector<16xi32>
      %gather3A_919 = tpu.dynamic_gather %add3A_913[%gather3A_918] in [0] : vector<16xf32>, vector<16xi32> -> vector<16xf32>
      %add3A_920 = arith.addf %add3A_913, %gather3A_919 : vector<16xf32>
      %eq3A_921 = arith.constant 9 : i32
      %eq3A_922 = vector.broadcast %eq3A_921 : i32 to vector<16xi32>
      %eq3A_923 = arith.cmpi eq, %iota3A, %eq3A_922 : vector<16xi32>
      %select_n3A_924 = arith.select %eq3A_923, %add3A_920, %select_n3A_848 : vector<16xi1>, vector<16xf32>
      %add3A_925 = arith.constant 10 : i32
      %add3A_926 = arith.addi %multiple_of3A, %add3A_925 : i32
      %broadcast_in_dim3A_927 = arith.constant 0.000000e+00 : f32
      %broadcast_in_dim3A_928 = vector.broadcast %broadcast_in_dim3A_927 : f32 to vector<16xf32>
      %get3A_929 = arith.index_cast %add3A_926 : i32 to index
      %get3A_930 = arith.constant 0 : index
      %get3A_931 = tpu.vector_load %arg9[%get3A_929, %get3A_930] {strides = array<i32>} : memref<512x64xf32, #tpu.memory_space<vmem>>, vector<1x16xf32>,
      %get3A_932 = vector.shape_cast %get3A_931 : vector<1x16xf32> to vector<16xf32>
      %get3A_933 = arith.index_cast %add3A_926 : i32 to index
      %get3A_934 = arith.constant 0 : index
      %get3A_935 = tpu.vector_load %arg10[%get3A_933, %get3A_934] {strides = array<i32>} : memref<512x64xf32, #tpu.memory_space<vmem>>, vector<1x16xf32>,
      %get3A_936 = vector.shape_cast %get3A_935 : vector<1x16xf32> to vector<16xf32>
      %mul3A_937 = arith.mulf %get3A_932, %get3A_936 : vector<16xf32>
      %add3A_938 = arith.addf %broadcast_in_dim3A_928, %mul3A_937 : vector<16xf32>
      %get3A_939 = arith.index_cast %add3A_926 : i32 to index
      %get3A_940 = arith.constant 16 : index
      %get3A_941 = tpu.vector_load %arg9[%get3A_939, %get3A_940] {strides = array<i32>} : memref<512x64xf32, #tpu.memory_space<vmem>>, vector<1x16xf32>,
      %get3A_942 = vector.shape_cast %get3A_941 : vector<1x16xf32> to vector<16xf32>
      %get3A_943 = arith.index_cast %add3A_926 : i32 to index
      %get3A_944 = arith.constant 16 : index
      %get3A_945 = tpu.vector_load %arg10[%get3A_943, %get3A_944] {strides = array<i32>} : memref<512x64xf32, #tpu.memory_space<vmem>>, vector<1x16xf32>,
      %get3A_946 = vector.shape_cast %get3A_945 : vector<1x16xf32> to vector<16xf32>
      %mul3A_947 = arith.mulf %get3A_942, %get3A_946 : vector<16xf32>
      %add3A_948 = arith.addf %add3A_938, %mul3A_947 : vector<16xf32>
      %get3A_949 = arith.index_cast %add3A_926 : i32 to index
      %get3A_950 = arith.constant 32 : index
      %get3A_951 = tpu.vector_load %arg9[%get3A_949, %get3A_950] {strides = array<i32>} : memref<512x64xf32, #tpu.memory_space<vmem>>, vector<1x16xf32>,
      %get3A_952 = vector.shape_cast %get3A_951 : vector<1x16xf32> to vector<16xf32>
      %get3A_953 = arith.index_cast %add3A_926 : i32 to index
      %get3A_954 = arith.constant 32 : index
      %get3A_955 = tpu.vector_load %arg10[%get3A_953, %get3A_954] {strides = array<i32>} : memref<512x64xf32, #tpu.memory_space<vmem>>, vector<1x16xf32>,
      %get3A_956 = vector.shape_cast %get3A_955 : vector<1x16xf32> to vector<16xf32>
      %mul3A_957 = arith.mulf %get3A_952, %get3A_956 : vector<16xf32>
      %add3A_958 = arith.addf %add3A_948, %mul3A_957 : vector<16xf32>
      %get3A_959 = arith.index_cast %add3A_926 : i32 to index
      %get3A_960 = arith.constant 48 : index
      %get3A_961 = tpu.vector_load %arg9[%get3A_959, %get3A_960] {strides = array<i32>} : memref<512x64xf32, #tpu.memory_space<vmem>>, vector<1x16xf32>,
      %get3A_962 = vector.shape_cast %get3A_961 : vector<1x16xf32> to vector<16xf32>
      %get3A_963 = arith.index_cast %add3A_926 : i32 to index
      %get3A_964 = arith.constant 48 : index
      %get3A_965 = tpu.vector_load %arg10[%get3A_963, %get3A_964] {strides = array<i32>} : memref<512x64xf32, #tpu.memory_space<vmem>>, vector<1x16xf32>,
      %get3A_966 = vector.shape_cast %get3A_965 : vector<1x16xf32> to vector<16xf32>
      %mul3A_967 = arith.mulf %get3A_962, %get3A_966 : vector<16xf32>
      %add3A_968 = arith.addf %add3A_958, %mul3A_967 : vector<16xf32>
      %xor3A_969 = arith.constant 8 : i32
      %xor3A_970 = vector.broadcast %xor3A_969 : i32 to vector<16xi32>
      %xor3A_971 = arith.xori %iota3A, %xor3A_970 : vector<16xi32>
      %broadcast_in_dim3A_972 = vector.shape_cast %xor3A_971 : vector<16xi32> to vector<16x1xi32>
      %gather3A_973 = vector.shape_cast %broadcast_in_dim3A_972 : vector<16x1xi32> to vector<16xi32>
      %gather3A_974 = tpu.dynamic_gather %add3A_968[%gather3A_973] in [0] : vector<16xf32>, vector<16xi32> -> vector<16xf32>
      %add3A_975 = arith.addf %add3A_968, %gather3A_974 : vector<16xf32>
      %xor3A_976 = arith.constant 4 : i32
      %xor3A_977 = vector.broadcast %xor3A_976 : i32 to vector<16xi32>
      %xor3A_978 = arith.xori %iota3A, %xor3A_977 : vector<16xi32>
      %broadcast_in_dim3A_979 = vector.shape_cast %xor3A_978 : vector<16xi32> to vector<16x1xi32>
      %gather3A_980 = vector.shape_cast %broadcast_in_dim3A_979 : vector<16x1xi32> to vector<16xi32>
      %gather3A_981 = tpu.dynamic_gather %add3A_975[%gather3A_980] in [0] : vector<16xf32>, vector<16xi32> -> vector<16xf32>
      %add3A_982 = arith.addf %add3A_975, %gather3A_981 : vector<16xf32>
      %xor3A_983 = arith.constant 2 : i32
      %xor3A_984 = vector.broadcast %xor3A_983 : i32 to vector<16xi32>
      %xor3A_985 = arith.xori %iota3A, %xor3A_984 : vector<16xi32>
      %broadcast_in_dim3A_986 = vector.shape_cast %xor3A_985 : vector<16xi32> to vector<16x1xi32>
      %gather3A_987 = vector.shape_cast %broadcast_in_dim3A_986 : vector<16x1xi32> to vector<16xi32>
      %gather3A_988 = tpu.dynamic_gather %add3A_982[%gather3A_987] in [0] : vector<16xf32>, vector<16xi32> -> vector<16xf32>
      %add3A_989 = arith.addf %add3A_982, %gather3A_988 : vector<16xf32>
      %xor3A_990 = arith.constant 1 : i32
      %xor3A_991 = vector.broadcast %xor3A_990 : i32 to vector<16xi32>
      %xor3A_992 = arith.xori %iota3A, %xor3A_991 : vector<16xi32>
      %broadcast_in_dim3A_993 = vector.shape_cast %xor3A_992 : vector<16xi32> to vector<16x1xi32>
      %gather3A_994 = vector.shape_cast %broadcast_in_dim3A_993 : vector<16x1xi32> to vector<16xi32>
      %gather3A_995 = tpu.dynamic_gather %add3A_989[%gather3A_994] in [0] : vector<16xf32>, vector<16xi32> -> vector<16xf32>
      %add3A_996 = arith.addf %add3A_989, %gather3A_995 : vector<16xf32>
      %eq3A_997 = arith.constant 10 : i32
      %eq3A_998 = vector.broadcast %eq3A_997 : i32 to vector<16xi32>
      %eq3A_999 = arith.cmpi eq, %iota3A, %eq3A_998 : vector<16xi32>
      %select_n3A_1000 = arith.select %eq3A_999, %add3A_996, %select_n3A_924 : vector<16xi1>, vector<16xf32>
      %add3A_1001 = arith.constant 11 : i32
      %add3A_1002 = arith.addi %multiple_of3A, %add3A_1001 : i32
      %broadcast_in_dim3A_1003 = arith.constant 0.000000e+00 : f32
      %broadcast_in_dim3A_1004 = vector.broadcast %broadcast_in_dim3A_1003 : f32 to vector<16xf32>
      %get3A_1005 = arith.index_cast %add3A_1002 : i32 to index
      %get3A_1006 = arith.constant 0 : index
      %get3A_1007 = tpu.vector_load %arg9[%get3A_1005, %get3A_1006] {strides = array<i32>} : memref<512x64xf32, #tpu.memory_space<vmem>>, vector<1x16xf32>,
      %get3A_1008 = vector.shape_cast %get3A_1007 : vector<1x16xf32> to vector<16xf32>
      %get3A_1009 = arith.index_cast %add3A_1002 : i32 to index
      %get3A_1010 = arith.constant 0 : index
      %get3A_1011 = tpu.vector_load %arg10[%get3A_1009, %get3A_1010] {strides = array<i32>} : memref<512x64xf32, #tpu.memory_space<vmem>>, vector<1x16xf32>,
      %get3A_1012 = vector.shape_cast %get3A_1011 : vector<1x16xf32> to vector<16xf32>
      %mul3A_1013 = arith.mulf %get3A_1008, %get3A_1012 : vector<16xf32>
      %add3A_1014 = arith.addf %broadcast_in_dim3A_1004, %mul3A_1013 : vector<16xf32>
      %get3A_1015 = arith.index_cast %add3A_1002 : i32 to index
      %get3A_1016 = arith.constant 16 : index
      %get3A_1017 = tpu.vector_load %arg9[%get3A_1015, %get3A_1016] {strides = array<i32>} : memref<512x64xf32, #tpu.memory_space<vmem>>, vector<1x16xf32>,
      %get3A_1018 = vector.shape_cast %get3A_1017 : vector<1x16xf32> to vector<16xf32>
      %get3A_1019 = arith.index_cast %add3A_1002 : i32 to index
      %get3A_1020 = arith.constant 16 : index
      %get3A_1021 = tpu.vector_load %arg10[%get3A_1019, %get3A_1020] {strides = array<i32>} : memref<512x64xf32, #tpu.memory_space<vmem>>, vector<1x16xf32>,
      %get3A_1022 = vector.shape_cast %get3A_1021 : vector<1x16xf32> to vector<16xf32>
      %mul3A_1023 = arith.mulf %get3A_1018, %get3A_1022 : vector<16xf32>
      %add3A_1024 = arith.addf %add3A_1014, %mul3A_1023 : vector<16xf32>
      %get3A_1025 = arith.index_cast %add3A_1002 : i32 to index
      %get3A_1026 = arith.constant 32 : index
      %get3A_1027 = tpu.vector_load %arg9[%get3A_1025, %get3A_1026] {strides = array<i32>} : memref<512x64xf32, #tpu.memory_space<vmem>>, vector<1x16xf32>,
      %get3A_1028 = vector.shape_cast %get3A_1027 : vector<1x16xf32> to vector<16xf32>
      %get3A_1029 = arith.index_cast %add3A_1002 : i32 to index
      %get3A_1030 = arith.constant 32 : index
      %get3A_1031 = tpu.vector_load %arg10[%get3A_1029, %get3A_1030] {strides = array<i32>} : memref<512x64xf32, #tpu.memory_space<vmem>>, vector<1x16xf32>,
      %get3A_1032 = vector.shape_cast %get3A_1031 : vector<1x16xf32> to vector<16xf32>
      %mul3A_1033 = arith.mulf %get3A_1028, %get3A_1032 : vector<16xf32>
      %add3A_1034 = arith.addf %add3A_1024, %mul3A_1033 : vector<16xf32>
      %get3A_1035 = arith.index_cast %add3A_1002 : i32 to index
      %get3A_1036 = arith.constant 48 : index
      %get3A_1037 = tpu.vector_load %arg9[%get3A_1035, %get3A_1036] {strides = array<i32>} : memref<512x64xf32, #tpu.memory_space<vmem>>, vector<1x16xf32>,
      %get3A_1038 = vector.shape_cast %get3A_1037 : vector<1x16xf32> to vector<16xf32>
      %get3A_1039 = arith.index_cast %add3A_1002 : i32 to index
      %get3A_1040 = arith.constant 48 : index
      %get3A_1041 = tpu.vector_load %arg10[%get3A_1039, %get3A_1040] {strides = array<i32>} : memref<512x64xf32, #tpu.memory_space<vmem>>, vector<1x16xf32>,
      %get3A_1042 = vector.shape_cast %get3A_1041 : vector<1x16xf32> to vector<16xf32>
      %mul3A_1043 = arith.mulf %get3A_1038, %get3A_1042 : vector<16xf32>
      %add3A_1044 = arith.addf %add3A_1034, %mul3A_1043 : vector<16xf32>
      %xor3A_1045 = arith.constant 8 : i32
      %xor3A_1046 = vector.broadcast %xor3A_1045 : i32 to vector<16xi32>
      %xor3A_1047 = arith.xori %iota3A, %xor3A_1046 : vector<16xi32>
      %broadcast_in_dim3A_1048 = vector.shape_cast %xor3A_1047 : vector<16xi32> to vector<16x1xi32>
      %gather3A_1049 = vector.shape_cast %broadcast_in_dim3A_1048 : vector<16x1xi32> to vector<16xi32>
      %gather3A_1050 = tpu.dynamic_gather %add3A_1044[%gather3A_1049] in [0] : vector<16xf32>, vector<16xi32> -> vector<16xf32>
      %add3A_1051 = arith.addf %add3A_1044, %gather3A_1050 : vector<16xf32>
      %xor3A_1052 = arith.constant 4 : i32
      %xor3A_1053 = vector.broadcast %xor3A_1052 : i32 to vector<16xi32>
      %xor3A_1054 = arith.xori %iota3A, %xor3A_1053 : vector<16xi32>
      %broadcast_in_dim3A_1055 = vector.shape_cast %xor3A_1054 : vector<16xi32> to vector<16x1xi32>
      %gather3A_1056 = vector.shape_cast %broadcast_in_dim3A_1055 : vector<16x1xi32> to vector<16xi32>
      %gather3A_1057 = tpu.dynamic_gather %add3A_1051[%gather3A_1056] in [0] : vector<16xf32>, vector<16xi32> -> vector<16xf32>
      %add3A_1058 = arith.addf %add3A_1051, %gather3A_1057 : vector<16xf32>
      %xor3A_1059 = arith.constant 2 : i32
      %xor3A_1060 = vector.broadcast %xor3A_1059 : i32 to vector<16xi32>
      %xor3A_1061 = arith.xori %iota3A, %xor3A_1060 : vector<16xi32>
      %broadcast_in_dim3A_1062 = vector.shape_cast %xor3A_1061 : vector<16xi32> to vector<16x1xi32>
      %gather3A_1063 = vector.shape_cast %broadcast_in_dim3A_1062 : vector<16x1xi32> to vector<16xi32>
      %gather3A_1064 = tpu.dynamic_gather %add3A_1058[%gather3A_1063] in [0] : vector<16xf32>, vector<16xi32> -> vector<16xf32>
      %add3A_1065 = arith.addf %add3A_1058, %gather3A_1064 : vector<16xf32>
      %xor3A_1066 = arith.constant 1 : i32
      %xor3A_1067 = vector.broadcast %xor3A_1066 : i32 to vector<16xi32>
      %xor3A_1068 = arith.xori %iota3A, %xor3A_1067 : vector<16xi32>
      %broadcast_in_dim3A_1069 = vector.shape_cast %xor3A_1068 : vector<16xi32> to vector<16x1xi32>
      %gather3A_1070 = vector.shape_cast %broadcast_in_dim3A_1069 : vector<16x1xi32> to vector<16xi32>
      %gather3A_1071 = tpu.dynamic_gather %add3A_1065[%gather3A_1070] in [0] : vector<16xf32>, vector<16xi32> -> vector<16xf32>
      %add3A_1072 = arith.addf %add3A_1065, %gather3A_1071 : vector<16xf32>
      %eq3A_1073 = arith.constant 11 : i32
      %eq3A_1074 = vector.broadcast %eq3A_1073 : i32 to vector<16xi32>
      %eq3A_1075 = arith.cmpi eq, %iota3A, %eq3A_1074 : vector<16xi32>
      %select_n3A_1076 = arith.select %eq3A_1075, %add3A_1072, %select_n3A_1000 : vector<16xi1>, vector<16xf32>
      %add3A_1077 = arith.constant 12 : i32
      %add3A_1078 = arith.addi %multiple_of3A, %add3A_1077 : i32
      %broadcast_in_dim3A_1079 = arith.constant 0.000000e+00 : f32
      %broadcast_in_dim3A_1080 = vector.broadcast %broadcast_in_dim3A_1079 : f32 to vector<16xf32>
      %get3A_1081 = arith.index_cast %add3A_1078 : i32 to index
      %get3A_1082 = arith.constant 0 : index
      %get3A_1083 = tpu.vector_load %arg9[%get3A_1081, %get3A_1082] {strides = array<i32>} : memref<512x64xf32, #tpu.memory_space<vmem>>, vector<1x16xf32>,
      %get3A_1084 = vector.shape_cast %get3A_1083 : vector<1x16xf32> to vector<16xf32>
      %get3A_1085 = arith.index_cast %add3A_1078 : i32 to index
      %get3A_1086 = arith.constant 0 : index
      %get3A_1087 = tpu.vector_load %arg10[%get3A_1085, %get3A_1086] {strides = array<i32>} : memref<512x64xf32, #tpu.memory_space<vmem>>, vector<1x16xf32>,
      %get3A_1088 = vector.shape_cast %get3A_1087 : vector<1x16xf32> to vector<16xf32>
      %mul3A_1089 = arith.mulf %get3A_1084, %get3A_1088 : vector<16xf32>
      %add3A_1090 = arith.addf %broadcast_in_dim3A_1080, %mul3A_1089 : vector<16xf32>
      %get3A_1091 = arith.index_cast %add3A_1078 : i32 to index
      %get3A_1092 = arith.constant 16 : index
      %get3A_1093 = tpu.vector_load %arg9[%get3A_1091, %get3A_1092] {strides = array<i32>} : memref<512x64xf32, #tpu.memory_space<vmem>>, vector<1x16xf32>,
      %get3A_1094 = vector.shape_cast %get3A_1093 : vector<1x16xf32> to vector<16xf32>
      %get3A_1095 = arith.index_cast %add3A_1078 : i32 to index
      %get3A_1096 = arith.constant 16 : index
      %get3A_1097 = tpu.vector_load %arg10[%get3A_1095, %get3A_1096] {strides = array<i32>} : memref<512x64xf32, #tpu.memory_space<vmem>>, vector<1x16xf32>,
      %get3A_1098 = vector.shape_cast %get3A_1097 : vector<1x16xf32> to vector<16xf32>
      %mul3A_1099 = arith.mulf %get3A_1094, %get3A_1098 : vector<16xf32>
      %add3A_1100 = arith.addf %add3A_1090, %mul3A_1099 : vector<16xf32>
      %get3A_1101 = arith.index_cast %add3A_1078 : i32 to index
      %get3A_1102 = arith.constant 32 : index
      %get3A_1103 = tpu.vector_load %arg9[%get3A_1101, %get3A_1102] {strides = array<i32>} : memref<512x64xf32, #tpu.memory_space<vmem>>, vector<1x16xf32>,
      %get3A_1104 = vector.shape_cast %get3A_1103 : vector<1x16xf32> to vector<16xf32>
      %get3A_1105 = arith.index_cast %add3A_1078 : i32 to index
      %get3A_1106 = arith.constant 32 : index
      %get3A_1107 = tpu.vector_load %arg10[%get3A_1105, %get3A_1106] {strides = array<i32>} : memref<512x64xf32, #tpu.memory_space<vmem>>, vector<1x16xf32>,
      %get3A_1108 = vector.shape_cast %get3A_1107 : vector<1x16xf32> to vector<16xf32>
      %mul3A_1109 = arith.mulf %get3A_1104, %get3A_1108 : vector<16xf32>
      %add3A_1110 = arith.addf %add3A_1100, %mul3A_1109 : vector<16xf32>
      %get3A_1111 = arith.index_cast %add3A_1078 : i32 to index
      %get3A_1112 = arith.constant 48 : index
      %get3A_1113 = tpu.vector_load %arg9[%get3A_1111, %get3A_1112] {strides = array<i32>} : memref<512x64xf32, #tpu.memory_space<vmem>>, vector<1x16xf32>,
      %get3A_1114 = vector.shape_cast %get3A_1113 : vector<1x16xf32> to vector<16xf32>
      %get3A_1115 = arith.index_cast %add3A_1078 : i32 to index
      %get3A_1116 = arith.constant 48 : index
      %get3A_1117 = tpu.vector_load %arg10[%get3A_1115, %get3A_1116] {strides = array<i32>} : memref<512x64xf32, #tpu.memory_space<vmem>>, vector<1x16xf32>,
      %get3A_1118 = vector.shape_cast %get3A_1117 : vector<1x16xf32> to vector<16xf32>
      %mul3A_1119 = arith.mulf %get3A_1114, %get3A_1118 : vector<16xf32>
      %add3A_1120 = arith.addf %add3A_1110, %mul3A_1119 : vector<16xf32>
      %xor3A_1121 = arith.constant 8 : i32
      %xor3A_1122 = vector.broadcast %xor3A_1121 : i32 to vector<16xi32>
      %xor3A_1123 = arith.xori %iota3A, %xor3A_1122 : vector<16xi32>
      %broadcast_in_dim3A_1124 = vector.shape_cast %xor3A_1123 : vector<16xi32> to vector<16x1xi32>
      %gather3A_1125 = vector.shape_cast %broadcast_in_dim3A_1124 : vector<16x1xi32> to vector<16xi32>
      %gather3A_1126 = tpu.dynamic_gather %add3A_1120[%gather3A_1125] in [0] : vector<16xf32>, vector<16xi32> -> vector<16xf32>
      %add3A_1127 = arith.addf %add3A_1120, %gather3A_1126 : vector<16xf32>
      %xor3A_1128 = arith.constant 4 : i32
      %xor3A_1129 = vector.broadcast %xor3A_1128 : i32 to vector<16xi32>
      %xor3A_1130 = arith.xori %iota3A, %xor3A_1129 : vector<16xi32>
      %broadcast_in_dim3A_1131 = vector.shape_cast %xor3A_1130 : vector<16xi32> to vector<16x1xi32>
      %gather3A_1132 = vector.shape_cast %broadcast_in_dim3A_1131 : vector<16x1xi32> to vector<16xi32>
      %gather3A_1133 = tpu.dynamic_gather %add3A_1127[%gather3A_1132] in [0] : vector<16xf32>, vector<16xi32> -> vector<16xf32>
      %add3A_1134 = arith.addf %add3A_1127, %gather3A_1133 : vector<16xf32>
      %xor3A_1135 = arith.constant 2 : i32
      %xor3A_1136 = vector.broadcast %xor3A_1135 : i32 to vector<16xi32>
      %xor3A_1137 = arith.xori %iota3A, %xor3A_1136 : vector<16xi32>
      %broadcast_in_dim3A_1138 = vector.shape_cast %xor3A_1137 : vector<16xi32> to vector<16x1xi32>
      %gather3A_1139 = vector.shape_cast %broadcast_in_dim3A_1138 : vector<16x1xi32> to vector<16xi32>
      %gather3A_1140 = tpu.dynamic_gather %add3A_1134[%gather3A_1139] in [0] : vector<16xf32>, vector<16xi32> -> vector<16xf32>
      %add3A_1141 = arith.addf %add3A_1134, %gather3A_1140 : vector<16xf32>
      %xor3A_1142 = arith.constant 1 : i32
      %xor3A_1143 = vector.broadcast %xor3A_1142 : i32 to vector<16xi32>
      %xor3A_1144 = arith.xori %iota3A, %xor3A_1143 : vector<16xi32>
      %broadcast_in_dim3A_1145 = vector.shape_cast %xor3A_1144 : vector<16xi32> to vector<16x1xi32>
      %gather3A_1146 = vector.shape_cast %broadcast_in_dim3A_1145 : vector<16x1xi32> to vector<16xi32>
      %gather3A_1147 = tpu.dynamic_gather %add3A_1141[%gather3A_1146] in [0] : vector<16xf32>, vector<16xi32> -> vector<16xf32>
      %add3A_1148 = arith.addf %add3A_1141, %gather3A_1147 : vector<16xf32>
      %eq3A_1149 = arith.constant 12 : i32
      %eq3A_1150 = vector.broadcast %eq3A_1149 : i32 to vector<16xi32>
      %eq3A_1151 = arith.cmpi eq, %iota3A, %eq3A_1150 : vector<16xi32>
      %select_n3A_1152 = arith.select %eq3A_1151, %add3A_1148, %select_n3A_1076 : vector<16xi1>, vector<16xf32>
      %add3A_1153 = arith.constant 13 : i32
      %add3A_1154 = arith.addi %multiple_of3A, %add3A_1153 : i32
      %broadcast_in_dim3A_1155 = arith.constant 0.000000e+00 : f32
      %broadcast_in_dim3A_1156 = vector.broadcast %broadcast_in_dim3A_1155 : f32 to vector<16xf32>
      %get3A_1157 = arith.index_cast %add3A_1154 : i32 to index
      %get3A_1158 = arith.constant 0 : index
      %get3A_1159 = tpu.vector_load %arg9[%get3A_1157, %get3A_1158] {strides = array<i32>} : memref<512x64xf32, #tpu.memory_space<vmem>>, vector<1x16xf32>,
      %get3A_1160 = vector.shape_cast %get3A_1159 : vector<1x16xf32> to vector<16xf32>
      %get3A_1161 = arith.index_cast %add3A_1154 : i32 to index
      %get3A_1162 = arith.constant 0 : index
      %get3A_1163 = tpu.vector_load %arg10[%get3A_1161, %get3A_1162] {strides = array<i32>} : memref<512x64xf32, #tpu.memory_space<vmem>>, vector<1x16xf32>,
      %get3A_1164 = vector.shape_cast %get3A_1163 : vector<1x16xf32> to vector<16xf32>
      %mul3A_1165 = arith.mulf %get3A_1160, %get3A_1164 : vector<16xf32>
      %add3A_1166 = arith.addf %broadcast_in_dim3A_1156, %mul3A_1165 : vector<16xf32>
      %get3A_1167 = arith.index_cast %add3A_1154 : i32 to index
      %get3A_1168 = arith.constant 16 : index
      %get3A_1169 = tpu.vector_load %arg9[%get3A_1167, %get3A_1168] {strides = array<i32>} : memref<512x64xf32, #tpu.memory_space<vmem>>, vector<1x16xf32>,
      %get3A_1170 = vector.shape_cast %get3A_1169 : vector<1x16xf32> to vector<16xf32>
      %get3A_1171 = arith.index_cast %add3A_1154 : i32 to index
      %get3A_1172 = arith.constant 16 : index
      %get3A_1173 = tpu.vector_load %arg10[%get3A_1171, %get3A_1172] {strides = array<i32>} : memref<512x64xf32, #tpu.memory_space<vmem>>, vector<1x16xf32>,
      %get3A_1174 = vector.shape_cast %get3A_1173 : vector<1x16xf32> to vector<16xf32>
      %mul3A_1175 = arith.mulf %get3A_1170, %get3A_1174 : vector<16xf32>
      %add3A_1176 = arith.addf %add3A_1166, %mul3A_1175 : vector<16xf32>
      %get3A_1177 = arith.index_cast %add3A_1154 : i32 to index
      %get3A_1178 = arith.constant 32 : index
      %get3A_1179 = tpu.vector_load %arg9[%get3A_1177, %get3A_1178] {strides = array<i32>} : memref<512x64xf32, #tpu.memory_space<vmem>>, vector<1x16xf32>,
      %get3A_1180 = vector.shape_cast %get3A_1179 : vector<1x16xf32> to vector<16xf32>
      %get3A_1181 = arith.index_cast %add3A_1154 : i32 to index
      %get3A_1182 = arith.constant 32 : index
      %get3A_1183 = tpu.vector_load %arg10[%get3A_1181, %get3A_1182] {strides = array<i32>} : memref<512x64xf32, #tpu.memory_space<vmem>>, vector<1x16xf32>,
      %get3A_1184 = vector.shape_cast %get3A_1183 : vector<1x16xf32> to vector<16xf32>
      %mul3A_1185 = arith.mulf %get3A_1180, %get3A_1184 : vector<16xf32>
      %add3A_1186 = arith.addf %add3A_1176, %mul3A_1185 : vector<16xf32>
      %get3A_1187 = arith.index_cast %add3A_1154 : i32 to index
      %get3A_1188 = arith.constant 48 : index
      %get3A_1189 = tpu.vector_load %arg9[%get3A_1187, %get3A_1188] {strides = array<i32>} : memref<512x64xf32, #tpu.memory_space<vmem>>, vector<1x16xf32>,
      %get3A_1190 = vector.shape_cast %get3A_1189 : vector<1x16xf32> to vector<16xf32>
      %get3A_1191 = arith.index_cast %add3A_1154 : i32 to index
      %get3A_1192 = arith.constant 48 : index
      %get3A_1193 = tpu.vector_load %arg10[%get3A_1191, %get3A_1192] {strides = array<i32>} : memref<512x64xf32, #tpu.memory_space<vmem>>, vector<1x16xf32>,
      %get3A_1194 = vector.shape_cast %get3A_1193 : vector<1x16xf32> to vector<16xf32>
      %mul3A_1195 = arith.mulf %get3A_1190, %get3A_1194 : vector<16xf32>
      %add3A_1196 = arith.addf %add3A_1186, %mul3A_1195 : vector<16xf32>
      %xor3A_1197 = arith.constant 8 : i32
      %xor3A_1198 = vector.broadcast %xor3A_1197 : i32 to vector<16xi32>
      %xor3A_1199 = arith.xori %iota3A, %xor3A_1198 : vector<16xi32>
      %broadcast_in_dim3A_1200 = vector.shape_cast %xor3A_1199 : vector<16xi32> to vector<16x1xi32>
      %gather3A_1201 = vector.shape_cast %broadcast_in_dim3A_1200 : vector<16x1xi32> to vector<16xi32>
      %gather3A_1202 = tpu.dynamic_gather %add3A_1196[%gather3A_1201] in [0] : vector<16xf32>, vector<16xi32> -> vector<16xf32>
      %add3A_1203 = arith.addf %add3A_1196, %gather3A_1202 : vector<16xf32>
      %xor3A_1204 = arith.constant 4 : i32
      %xor3A_1205 = vector.broadcast %xor3A_1204 : i32 to vector<16xi32>
      %xor3A_1206 = arith.xori %iota3A, %xor3A_1205 : vector<16xi32>
      %broadcast_in_dim3A_1207 = vector.shape_cast %xor3A_1206 : vector<16xi32> to vector<16x1xi32>
      %gather3A_1208 = vector.shape_cast %broadcast_in_dim3A_1207 : vector<16x1xi32> to vector<16xi32>
      %gather3A_1209 = tpu.dynamic_gather %add3A_1203[%gather3A_1208] in [0] : vector<16xf32>, vector<16xi32> -> vector<16xf32>
      %add3A_1210 = arith.addf %add3A_1203, %gather3A_1209 : vector<16xf32>
      %xor3A_1211 = arith.constant 2 : i32
      %xor3A_1212 = vector.broadcast %xor3A_1211 : i32 to vector<16xi32>
      %xor3A_1213 = arith.xori %iota3A, %xor3A_1212 : vector<16xi32>
      %broadcast_in_dim3A_1214 = vector.shape_cast %xor3A_1213 : vector<16xi32> to vector<16x1xi32>
      %gather3A_1215 = vector.shape_cast %broadcast_in_dim3A_1214 : vector<16x1xi32> to vector<16xi32>
      %gather3A_1216 = tpu.dynamic_gather %add3A_1210[%gather3A_1215] in [0] : vector<16xf32>, vector<16xi32> -> vector<16xf32>
      %add3A_1217 = arith.addf %add3A_1210, %gather3A_1216 : vector<16xf32>
      %xor3A_1218 = arith.constant 1 : i32
      %xor3A_1219 = vector.broadcast %xor3A_1218 : i32 to vector<16xi32>
      %xor3A_1220 = arith.xori %iota3A, %xor3A_1219 : vector<16xi32>
      %broadcast_in_dim3A_1221 = vector.shape_cast %xor3A_1220 : vector<16xi32> to vector<16x1xi32>
      %gather3A_1222 = vector.shape_cast %broadcast_in_dim3A_1221 : vector<16x1xi32> to vector<16xi32>
      %gather3A_1223 = tpu.dynamic_gather %add3A_1217[%gather3A_1222] in [0] : vector<16xf32>, vector<16xi32> -> vector<16xf32>
      %add3A_1224 = arith.addf %add3A_1217, %gather3A_1223 : vector<16xf32>
      %eq3A_1225 = arith.constant 13 : i32
      %eq3A_1226 = vector.broadcast %eq3A_1225 : i32 to vector<16xi32>
      %eq3A_1227 = arith.cmpi eq, %iota3A, %eq3A_1226 : vector<16xi32>
      %select_n3A_1228 = arith.select %eq3A_1227, %add3A_1224, %select_n3A_1152 : vector<16xi1>, vector<16xf32>
      %add3A_1229 = arith.constant 14 : i32
      %add3A_1230 = arith.addi %multiple_of3A, %add3A_1229 : i32
      %broadcast_in_dim3A_1231 = arith.constant 0.000000e+00 : f32
      %broadcast_in_dim3A_1232 = vector.broadcast %broadcast_in_dim3A_1231 : f32 to vector<16xf32>
      %get3A_1233 = arith.index_cast %add3A_1230 : i32 to index
      %get3A_1234 = arith.constant 0 : index
      %get3A_1235 = tpu.vector_load %arg9[%get3A_1233, %get3A_1234] {strides = array<i32>} : memref<512x64xf32, #tpu.memory_space<vmem>>, vector<1x16xf32>,
      %get3A_1236 = vector.shape_cast %get3A_1235 : vector<1x16xf32> to vector<16xf32>
      %get3A_1237 = arith.index_cast %add3A_1230 : i32 to index
      %get3A_1238 = arith.constant 0 : index
      %get3A_1239 = tpu.vector_load %arg10[%get3A_1237, %get3A_1238] {strides = array<i32>} : memref<512x64xf32, #tpu.memory_space<vmem>>, vector<1x16xf32>,
      %get3A_1240 = vector.shape_cast %get3A_1239 : vector<1x16xf32> to vector<16xf32>
      %mul3A_1241 = arith.mulf %get3A_1236, %get3A_1240 : vector<16xf32>
      %add3A_1242 = arith.addf %broadcast_in_dim3A_1232, %mul3A_1241 : vector<16xf32>
      %get3A_1243 = arith.index_cast %add3A_1230 : i32 to index
      %get3A_1244 = arith.constant 16 : index
      %get3A_1245 = tpu.vector_load %arg9[%get3A_1243, %get3A_1244] {strides = array<i32>} : memref<512x64xf32, #tpu.memory_space<vmem>>, vector<1x16xf32>,
      %get3A_1246 = vector.shape_cast %get3A_1245 : vector<1x16xf32> to vector<16xf32>
      %get3A_1247 = arith.index_cast %add3A_1230 : i32 to index
      %get3A_1248 = arith.constant 16 : index
      %get3A_1249 = tpu.vector_load %arg10[%get3A_1247, %get3A_1248] {strides = array<i32>} : memref<512x64xf32, #tpu.memory_space<vmem>>, vector<1x16xf32>,
      %get3A_1250 = vector.shape_cast %get3A_1249 : vector<1x16xf32> to vector<16xf32>
      %mul3A_1251 = arith.mulf %get3A_1246, %get3A_1250 : vector<16xf32>
      %add3A_1252 = arith.addf %add3A_1242, %mul3A_1251 : vector<16xf32>
      %get3A_1253 = arith.index_cast %add3A_1230 : i32 to index
      %get3A_1254 = arith.constant 32 : index
      %get3A_1255 = tpu.vector_load %arg9[%get3A_1253, %get3A_1254] {strides = array<i32>} : memref<512x64xf32, #tpu.memory_space<vmem>>, vector<1x16xf32>,
      %get3A_1256 = vector.shape_cast %get3A_1255 : vector<1x16xf32> to vector<16xf32>
      %get3A_1257 = arith.index_cast %add3A_1230 : i32 to index
      %get3A_1258 = arith.constant 32 : index
      %get3A_1259 = tpu.vector_load %arg10[%get3A_1257, %get3A_1258] {strides = array<i32>} : memref<512x64xf32, #tpu.memory_space<vmem>>, vector<1x16xf32>,
      %get3A_1260 = vector.shape_cast %get3A_1259 : vector<1x16xf32> to vector<16xf32>
      %mul3A_1261 = arith.mulf %get3A_1256, %get3A_1260 : vector<16xf32>
      %add3A_1262 = arith.addf %add3A_1252, %mul3A_1261 : vector<16xf32>
      %get3A_1263 = arith.index_cast %add3A_1230 : i32 to index
      %get3A_1264 = arith.constant 48 : index
      %get3A_1265 = tpu.vector_load %arg9[%get3A_1263, %get3A_1264] {strides = array<i32>} : memref<512x64xf32, #tpu.memory_space<vmem>>, vector<1x16xf32>,
      %get3A_1266 = vector.shape_cast %get3A_1265 : vector<1x16xf32> to vector<16xf32>
      %get3A_1267 = arith.index_cast %add3A_1230 : i32 to index
      %get3A_1268 = arith.constant 48 : index
      %get3A_1269 = tpu.vector_load %arg10[%get3A_1267, %get3A_1268] {strides = array<i32>} : memref<512x64xf32, #tpu.memory_space<vmem>>, vector<1x16xf32>,
      %get3A_1270 = vector.shape_cast %get3A_1269 : vector<1x16xf32> to vector<16xf32>
      %mul3A_1271 = arith.mulf %get3A_1266, %get3A_1270 : vector<16xf32>
      %add3A_1272 = arith.addf %add3A_1262, %mul3A_1271 : vector<16xf32>
      %xor3A_1273 = arith.constant 8 : i32
      %xor3A_1274 = vector.broadcast %xor3A_1273 : i32 to vector<16xi32>
      %xor3A_1275 = arith.xori %iota3A, %xor3A_1274 : vector<16xi32>
      %broadcast_in_dim3A_1276 = vector.shape_cast %xor3A_1275 : vector<16xi32> to vector<16x1xi32>
      %gather3A_1277 = vector.shape_cast %broadcast_in_dim3A_1276 : vector<16x1xi32> to vector<16xi32>
      %gather3A_1278 = tpu.dynamic_gather %add3A_1272[%gather3A_1277] in [0] : vector<16xf32>, vector<16xi32> -> vector<16xf32>
      %add3A_1279 = arith.addf %add3A_1272, %gather3A_1278 : vector<16xf32>
      %xor3A_1280 = arith.constant 4 : i32
      %xor3A_1281 = vector.broadcast %xor3A_1280 : i32 to vector<16xi32>
      %xor3A_1282 = arith.xori %iota3A, %xor3A_1281 : vector<16xi32>
      %broadcast_in_dim3A_1283 = vector.shape_cast %xor3A_1282 : vector<16xi32> to vector<16x1xi32>
      %gather3A_1284 = vector.shape_cast %broadcast_in_dim3A_1283 : vector<16x1xi32> to vector<16xi32>
      %gather3A_1285 = tpu.dynamic_gather %add3A_1279[%gather3A_1284] in [0] : vector<16xf32>, vector<16xi32> -> vector<16xf32>
      %add3A_1286 = arith.addf %add3A_1279, %gather3A_1285 : vector<16xf32>
      %xor3A_1287 = arith.constant 2 : i32
      %xor3A_1288 = vector.broadcast %xor3A_1287 : i32 to vector<16xi32>
      %xor3A_1289 = arith.xori %iota3A, %xor3A_1288 : vector<16xi32>
      %broadcast_in_dim3A_1290 = vector.shape_cast %xor3A_1289 : vector<16xi32> to vector<16x1xi32>
      %gather3A_1291 = vector.shape_cast %broadcast_in_dim3A_1290 : vector<16x1xi32> to vector<16xi32>
      %gather3A_1292 = tpu.dynamic_gather %add3A_1286[%gather3A_1291] in [0] : vector<16xf32>, vector<16xi32> -> vector<16xf32>
      %add3A_1293 = arith.addf %add3A_1286, %gather3A_1292 : vector<16xf32>
      %xor3A_1294 = arith.constant 1 : i32
      %xor3A_1295 = vector.broadcast %xor3A_1294 : i32 to vector<16xi32>
      %xor3A_1296 = arith.xori %iota3A, %xor3A_1295 : vector<16xi32>
      %broadcast_in_dim3A_1297 = vector.shape_cast %xor3A_1296 : vector<16xi32> to vector<16x1xi32>
      %gather3A_1298 = vector.shape_cast %broadcast_in_dim3A_1297 : vector<16x1xi32> to vector<16xi32>
      %gather3A_1299 = tpu.dynamic_gather %add3A_1293[%gather3A_1298] in [0] : vector<16xf32>, vector<16xi32> -> vector<16xf32>
      %add3A_1300 = arith.addf %add3A_1293, %gather3A_1299 : vector<16xf32>
      %eq3A_1301 = arith.constant 14 : i32
      %eq3A_1302 = vector.broadcast %eq3A_1301 : i32 to vector<16xi32>
      %eq3A_1303 = arith.cmpi eq, %iota3A, %eq3A_1302 : vector<16xi32>
      %select_n3A_1304 = arith.select %eq3A_1303, %add3A_1300, %select_n3A_1228 : vector<16xi1>, vector<16xf32>
      %add3A_1305 = arith.constant 15 : i32
      %add3A_1306 = arith.addi %multiple_of3A, %add3A_1305 : i32
      %broadcast_in_dim3A_1307 = arith.constant 0.000000e+00 : f32
      %broadcast_in_dim3A_1308 = vector.broadcast %broadcast_in_dim3A_1307 : f32 to vector<16xf32>
      %get3A_1309 = arith.index_cast %add3A_1306 : i32 to index
      %get3A_1310 = arith.constant 0 : index
      %get3A_1311 = tpu.vector_load %arg9[%get3A_1309, %get3A_1310] {strides = array<i32>} : memref<512x64xf32, #tpu.memory_space<vmem>>, vector<1x16xf32>,
      %get3A_1312 = vector.shape_cast %get3A_1311 : vector<1x16xf32> to vector<16xf32>
      %get3A_1313 = arith.index_cast %add3A_1306 : i32 to index
      %get3A_1314 = arith.constant 0 : index
      %get3A_1315 = tpu.vector_load %arg10[%get3A_1313, %get3A_1314] {strides = array<i32>} : memref<512x64xf32, #tpu.memory_space<vmem>>, vector<1x16xf32>,
      %get3A_1316 = vector.shape_cast %get3A_1315 : vector<1x16xf32> to vector<16xf32>
      %mul3A_1317 = arith.mulf %get3A_1312, %get3A_1316 : vector<16xf32>
      %add3A_1318 = arith.addf %broadcast_in_dim3A_1308, %mul3A_1317 : vector<16xf32>
      %get3A_1319 = arith.index_cast %add3A_1306 : i32 to index
      %get3A_1320 = arith.constant 16 : index
      %get3A_1321 = tpu.vector_load %arg9[%get3A_1319, %get3A_1320] {strides = array<i32>} : memref<512x64xf32, #tpu.memory_space<vmem>>, vector<1x16xf32>,
      %get3A_1322 = vector.shape_cast %get3A_1321 : vector<1x16xf32> to vector<16xf32>
      %get3A_1323 = arith.index_cast %add3A_1306 : i32 to index
      %get3A_1324 = arith.constant 16 : index
      %get3A_1325 = tpu.vector_load %arg10[%get3A_1323, %get3A_1324] {strides = array<i32>} : memref<512x64xf32, #tpu.memory_space<vmem>>, vector<1x16xf32>,
      %get3A_1326 = vector.shape_cast %get3A_1325 : vector<1x16xf32> to vector<16xf32>
      %mul3A_1327 = arith.mulf %get3A_1322, %get3A_1326 : vector<16xf32>
      %add3A_1328 = arith.addf %add3A_1318, %mul3A_1327 : vector<16xf32>
      %get3A_1329 = arith.index_cast %add3A_1306 : i32 to index
      %get3A_1330 = arith.constant 32 : index
      %get3A_1331 = tpu.vector_load %arg9[%get3A_1329, %get3A_1330] {strides = array<i32>} : memref<512x64xf32, #tpu.memory_space<vmem>>, vector<1x16xf32>,
      %get3A_1332 = vector.shape_cast %get3A_1331 : vector<1x16xf32> to vector<16xf32>
      %get3A_1333 = arith.index_cast %add3A_1306 : i32 to index
      %get3A_1334 = arith.constant 32 : index
      %get3A_1335 = tpu.vector_load %arg10[%get3A_1333, %get3A_1334] {strides = array<i32>} : memref<512x64xf32, #tpu.memory_space<vmem>>, vector<1x16xf32>,
      %get3A_1336 = vector.shape_cast %get3A_1335 : vector<1x16xf32> to vector<16xf32>
      %mul3A_1337 = arith.mulf %get3A_1332, %get3A_1336 : vector<16xf32>
      %add3A_1338 = arith.addf %add3A_1328, %mul3A_1337 : vector<16xf32>
      %get3A_1339 = arith.index_cast %add3A_1306 : i32 to index
      %get3A_1340 = arith.constant 48 : index
      %get3A_1341 = tpu.vector_load %arg9[%get3A_1339, %get3A_1340] {strides = array<i32>} : memref<512x64xf32, #tpu.memory_space<vmem>>, vector<1x16xf32>,
      %get3A_1342 = vector.shape_cast %get3A_1341 : vector<1x16xf32> to vector<16xf32>
      %get3A_1343 = arith.index_cast %add3A_1306 : i32 to index
      %get3A_1344 = arith.constant 48 : index
      %get3A_1345 = tpu.vector_load %arg10[%get3A_1343, %get3A_1344] {strides = array<i32>} : memref<512x64xf32, #tpu.memory_space<vmem>>, vector<1x16xf32>,
      %get3A_1346 = vector.shape_cast %get3A_1345 : vector<1x16xf32> to vector<16xf32>
      %mul3A_1347 = arith.mulf %get3A_1342, %get3A_1346 : vector<16xf32>
      %add3A_1348 = arith.addf %add3A_1338, %mul3A_1347 : vector<16xf32>
      %xor3A_1349 = arith.constant 8 : i32
      %xor3A_1350 = vector.broadcast %xor3A_1349 : i32 to vector<16xi32>
      %xor3A_1351 = arith.xori %iota3A, %xor3A_1350 : vector<16xi32>
      %broadcast_in_dim3A_1352 = vector.shape_cast %xor3A_1351 : vector<16xi32> to vector<16x1xi32>
      %gather3A_1353 = vector.shape_cast %broadcast_in_dim3A_1352 : vector<16x1xi32> to vector<16xi32>
      %gather3A_1354 = tpu.dynamic_gather %add3A_1348[%gather3A_1353] in [0] : vector<16xf32>, vector<16xi32> -> vector<16xf32>
      %add3A_1355 = arith.addf %add3A_1348, %gather3A_1354 : vector<16xf32>
      %xor3A_1356 = arith.constant 4 : i32
      %xor3A_1357 = vector.broadcast %xor3A_1356 : i32 to vector<16xi32>
      %xor3A_1358 = arith.xori %iota3A, %xor3A_1357 : vector<16xi32>
      %broadcast_in_dim3A_1359 = vector.shape_cast %xor3A_1358 : vector<16xi32> to vector<16x1xi32>
      %gather3A_1360 = vector.shape_cast %broadcast_in_dim3A_1359 : vector<16x1xi32> to vector<16xi32>
      %gather3A_1361 = tpu.dynamic_gather %add3A_1355[%gather3A_1360] in [0] : vector<16xf32>, vector<16xi32> -> vector<16xf32>
      %add3A_1362 = arith.addf %add3A_1355, %gather3A_1361 : vector<16xf32>
      %xor3A_1363 = arith.constant 2 : i32
      %xor3A_1364 = vector.broadcast %xor3A_1363 : i32 to vector<16xi32>
      %xor3A_1365 = arith.xori %iota3A, %xor3A_1364 : vector<16xi32>
      %broadcast_in_dim3A_1366 = vector.shape_cast %xor3A_1365 : vector<16xi32> to vector<16x1xi32>
      %gather3A_1367 = vector.shape_cast %broadcast_in_dim3A_1366 : vector<16x1xi32> to vector<16xi32>
      %gather3A_1368 = tpu.dynamic_gather %add3A_1362[%gather3A_1367] in [0] : vector<16xf32>, vector<16xi32> -> vector<16xf32>
      %add3A_1369 = arith.addf %add3A_1362, %gather3A_1368 : vector<16xf32>
      %xor3A_1370 = arith.constant 1 : i32
      %xor3A_1371 = vector.broadcast %xor3A_1370 : i32 to vector<16xi32>
      %xor3A_1372 = arith.xori %iota3A, %xor3A_1371 : vector<16xi32>
      %broadcast_in_dim3A_1373 = vector.shape_cast %xor3A_1372 : vector<16xi32> to vector<16x1xi32>
      %gather3A_1374 = vector.shape_cast %broadcast_in_dim3A_1373 : vector<16x1xi32> to vector<16xi32>
      %gather3A_1375 = tpu.dynamic_gather %add3A_1369[%gather3A_1374] in [0] : vector<16xf32>, vector<16xi32> -> vector<16xf32>
      %add3A_1376 = arith.addf %add3A_1369, %gather3A_1375 : vector<16xf32>
      %eq3A_1377 = arith.constant 15 : i32
      %eq3A_1378 = vector.broadcast %eq3A_1377 : i32 to vector<16xi32>
      %eq3A_1379 = arith.cmpi eq, %iota3A, %eq3A_1378 : vector<16xi32>
      %select_n3A_1380 = arith.select %eq3A_1379, %add3A_1376, %select_n3A_1304 : vector<16xi1>, vector<16xf32>
      %swap3A = arith.index_cast %multiple_of3A : i32 to index
      %swap3A_1381 = tpu.vector_load %arg11[%swap3A] {strides = array<i32>} : memref<512xf32, #tpu.memory_space<vmem>>, vector<16xf32>,
      %swap3A_1382 = vector.shape_cast %swap3A_1381 : vector<16xf32> to vector<16xf32>
      %swap3A_1383 = vector.shape_cast %select_n3A_1380 : vector<16xf32> to vector<16xf32>
      tpu.vector_store %arg11[%swap3A], %swap3A_1383 {strides = array<i32>} : memref<512xf32, #tpu.memory_space<vmem>>, vector<16xf32>,
    }
    %scan3A_163 = arith.constant 32 : i32
    %mul3A_164 = arith.constant 512 : i32
    %mul3A_165 = arith.muli %add3A, %mul3A_164 : i32
    "tpu.region"() ({
      %run_scoped3A = tpu.sem_alloc : memref<!tpu.dma_semaphore, #tpu.memory_space<semaphore_mem>>
      %dma_start3A_166 = tpu.memref_slice %arg6[%mul3A_165] : memref<16384xf32, #tpu.memory_space<hbm>> -> memref<512xf32, #tpu.memory_space<hbm>>
      %dma_start3A_167 = tpu.memref_slice %arg6[%mul3A_165] : memref<16384xf32, #tpu.memory_space<hbm>> -> memref<512xf32, #tpu.memory_space<hbm>>
      tpu.enqueue_dma source(%arg11 : memref<512xf32, #tpu.memory_space<vmem>>) target(%dma_start3A_167 : memref<512xf32, #tpu.memory_space<hbm>>) target_semaphore(%run_scoped3A : memref<!tpu.dma_semaphore, #tpu.memory_space<semaphore_mem>>)
      %dma_wait3A_168 = tpu.memref_slice %arg6[%mul3A_165] : memref<16384xf32, #tpu.memory_space<hbm>> -> memref<512xf32, #tpu.memory_space<hbm>>
      %dma_wait3A_169 = tpu.memref_slice %arg6[%mul3A_165] : memref<16384xf32, #tpu.memory_space<hbm>> -> memref<512xf32, #tpu.memory_space<hbm>>
      tpu.wait_dma2 semaphore(%run_scoped3A : memref<!tpu.dma_semaphore, #tpu.memory_space<semaphore_mem>>) src(%arg11 : memref<512xf32, #tpu.memory_space<vmem>>) dst(%dma_wait3A_169 : memref<512xf32, #tpu.memory_space<hbm>>)
      tpu.yield
    }) : () -> ()
    return
  }
}

</mosaic_0001>

<sc_bundles>
// kernel: kernel.3.cloned.1.call-start
scs
__scs_entry_jumppad:
0x0: {  	(pc) =	sbr.rel $0x88, $3  }
0x1: {  	(tag) =	ssettag $0x0;
	lr =	simm.s32 $0x1  }
0x2: {  	[smem:$0x3F9D] =	sst lr;
	_ =	strace $0xD0000000  }
0x3: {  	_ = 	snop  }
0x4: {  	_ = 	snop  }
0x5: {  	_ = 	snop  }
0x6: {  	_ = 	snop  }
0x7: {  	_ = 	snop  }
__scs_overlays_trampoline_lowered:
0x8: {  	[smem:$0x3FAC] =	sst s0  }
0x9: {  	[smem:$0x3FAD] =	sst s1  }
0xa: {  	[smem:$0x3FAE] =	sst s2  }
0xb: {  	[smem:$0x3FAF] =	sst s3  }
0xc: {  	[smem:$0x3FB0] =	sst s4  }
0xd: {  	[smem:$0x3FB1] =	sst s5  }
0xe: {  	[smem:$0x3FB2] =	sst s6  }
0xf: {  	[smem:$0x3FB3] =	sst s7  }
0x10: {  	[smem:$0x3FB4] =	sst s8  }
0x11: {  	[smem:$0x3FB5] =	sst s9;
	s0 =	simm.s32 @!p0 $0x0  }
0x12: {  	s1 =	sld [smem:$0x3F9B];
	s0 =	simm.s32 @p0 $0x1  }
0x13: {  	[smem:$0x3FB6] =	sst s0;
	s0 =	simm.s32 @!p1 $0x0  }
0x14: {  	s2 =	sld [smem:$0x3F9A];
	s0 =	simm.s32 @p1 $0x1  }
0x15: {  	[smem:$0x3FB7] =	sst s0;
	s0 =	simm.s32 @!p2 $0x0  }
0x16: {  	s3 =	sld [smem:$0x3FDB];
	s0 =	simm.s32 @p2 $0x1  }
0x17: {  	s4 =	simm.s32 $0x1BF5;
	[smem:$0x3FB9] =	sst s0  }
0x18: {  	s0 =	sld [smem:$0x3F9C];
	_ =	swait.ge [sflag:s4], $0x0  }
0x19: {  	s7 =	sld [smem:$0x3F9D]  }
0x1a: {  	s8 =	sadd.s32 $0xFFFFE003, lr  }
0x1b: {  	s9 =	sadd.s32 $0xFFFFFEF7, lr;
	s5 =	simm.s32 $0xFFFFFFFF;
	p2 =	slt.u32 s8, $0xFFFFF086  }
0x1c: {  	p1 =	slt.u32 s9, $0xF7A;
	s5 =	simm.s32 @!p2 $0x0  }
0x1d: {  	s5 =	simm.s32 @p1 $0x1;
	p0 =	seq.s32 s7, s2  }
0x1e: {  	s7 =	smul.u32 @!p0 $0xF7A, s2;
	p2 =	seq.s32 @!p0 s5, $0x0  }
0x1f: {  	s9 =	smul.u32 $0xF7A, s1;
	s8 =	simm.s32 @!p0 $0x1BF5;
	p2 =	por !p2, p0  }
0x20: {  	[sflag:s8] =	ssyncset.s32 @!p0 $0xFFFFF086;
	s6 =	sadd.s32 @!p0 s3, s7;
	s7 =	simm.s32 @!p0 $0x108  }
0x21: {  	s3 =	sadd.s32 s3, s9;
	s6 =	sadd.s32 @!p0 $0x88, s6;
	s7 =	simm.s32 @p2 $0x1082  }
0x22: {  	[simem:s7], [sflag:s8] =	dma.local @!p0 [hbm:s6], $0xF7A  }
0x23: {  	s9 =	sor.u32 $0xD0000000, s2;
	s6 =	simm.s32 $0x108;
	_ =	swait.ge @!p0 [sflag:s8], $0x0  }
0x24: {  	s3 =	sadd.s32 $0x88, s3;
	s6 =	simm.s32 @!p1 $0x1082;
	[sflag:s4] =	ssyncset.s32 $0xFFFFF086  }
0x25: {  	[simem:s6], [sflag:s4] =	dma.local [hbm:s3], $0xF7A  }
0x26: {  	[smem:$0x3F9D] =	sst s1;
	(tag) =	ssettag s2;
	_ =	strace s9  }
0x27: {  	s1 =	sld [smem:$0x3FAD]  }
0x28: {  	s2 =	sld [smem:$0x3FAE]  }
0x29: {  	s4 =	sld [smem:$0x3FB0]  }
0x2a: {  	p0 =	seq.s32 s5, $0x0;
	s5 =	sld [smem:$0x3FB1]  }
0x2b: {  	s6 =	sld [smem:$0x3FB2]  }
0x2c: {  	s7 =	sld [smem:$0x3FB3]  }
0x2d: {  	s3 =	simm.s32 $0x108;
	s8 =	sld [smem:$0x3FB4]  }
0x2e: {  	s3 =	simm.s32 @!p0 $0x1082;
	s9 =	sld [smem:$0x3FB5]  }
0x2f: {  	lr =	sadd.s32 s0, s3;
	s0 =	sld [smem:$0x3FAC]  }
0x30: {  	s3 =	sld [smem:$0x3FAF]  }
0x31: {  	[smem:$0x3FB8] =	sst s10  }
0x32: {  	s10 =	sld [smem:$0x3FB6];
	_ =	sdelay $0x3  }
0x33: {  	p0 =	seq.s32 s10, $0x1;
	s10 =	sld [smem:$0x3FB8];
	_ =	sdelay $0x3  }
0x34: {  	[smem:$0x3FB8] =	sst s10  }
0x35: {  	s10 =	sld [smem:$0x3FB7];
	_ =	sdelay $0x3  }
0x36: {  	p1 =	seq.s32 s10, $0x1;
	s10 =	sld [smem:$0x3FB8];
	_ =	sdelay $0x3  }
0x37: {  	[smem:$0x3FB8] =	sst s10  }
0x38: {  	s10 =	sld [smem:$0x3FB9]  }
0x39: {  	_ = 	snop;
	(pc) =	sbr.ind lr, $3  }
0x3a: {  	_ = 	snop  }
0x3b: {  	_ = 	snop  }
0x3c: {  	p2 =	seq.s32 s10, $0x1;
	s10 =	sld [smem:$0x3FB8]  }
0x3d: {  	_ =	shalt  }
0x3e: {  	_ =	shalt  }
0x3f: {  	_ =	shalt  }
0x40: {  	_ =	shalt  }
0x41: {  	_ =	shalt  }
0x42: {  	_ =	shalt  }
0x43: {  	_ =	shalt  }
0x44: {  	_ =	shalt  }
0x45: {  	_ =	shalt  }
0x46: {  	_ =	shalt  }
0x47: {  	_ =	shalt  }
0x48: {  	_ =	shalt  }
0x49: {  	_ =	shalt  }
0x4a: {  	_ =	shalt  }
0x4b: {  	_ =	shalt  }
0x4c: {  	_ =	shalt  }
0x4d: {  	_ =	shalt  }
0x4e: {  	_ =	shalt  }
0x4f: {  	_ =	shalt  }
0x50: {  	_ =	shalt  }
0x51: {  	_ =	shalt  }
0x52: {  	_ =	shalt  }
0x53: {  	_ =	shalt  }
0x54: {  	_ =	shalt  }
0x55: {  	_ =	shalt  }
0x56: {  	_ =	shalt  }
0x57: {  	_ =	shalt  }
0x58: {  	_ =	shalt  }
0x59: {  	_ =	shalt  }
0x5a: {  	_ =	shalt  }
0x5b: {  	_ =	shalt  }
0x5c: {  	_ =	shalt  }
0x5d: {  	_ =	shalt  }
0x5e: {  	_ =	shalt  }
0x5f: {  	_ =	shalt  }
0x60: {  	_ =	shalt  }
0x61: {  	_ =	shalt  }
0x62: {  	_ =	shalt  }
0x63: {  	_ =	shalt  }
0x64: {  	_ =	shalt  }
0x65: {  	_ =	shalt  }
0x66: {  	_ =	shalt  }
0x67: {  	_ =	shalt  }
0x68: {  	_ =	shalt  }
0x69: {  	_ =	shalt  }
0x6a: {  	_ =	shalt  }
0x6b: {  	_ =	shalt  }
0x6c: {  	_ =	shalt  }
0x6d: {  	_ =	shalt  }
0x6e: {  	_ =	shalt  }
0x6f: {  	_ =	shalt  }
0x70: {  	_ =	shalt  }
0x71: {  	_ =	shalt  }
0x72: {  	_ =	shalt  }
0x73: {  	_ =	shalt  }
0x74: {  	_ =	shalt  }
0x75: {  	_ =	shalt  }
0x76: {  	_ =	shalt  }
0x77: {  	_ =	shalt  }
0x78: {  	_ =	shalt  }
0x79: {  	_ =	shalt  }
0x7a: {  	_ =	shalt  }
0x7b: {  	_ =	shalt  }
0x7c: {  	_ =	shalt  }
0x7d: {  	_ =	shalt  }
0x7e: {  	_ =	shalt  }
0x7f: {  	_ =	shalt  }
0x80: {  	_ =	shalt  }
0x81: {  	_ =	shalt  }
0x82: {  	_ =	shalt  }
0x83: {  	_ =	shalt  }
0x84: {  	_ =	shalt  }
0x85: {  	_ =	shalt  }
0x86: {  	_ =	shalt  }
0x87: {  	_ =	shalt  }
.Lfunc_end0:
.L_simem_size_0:
called_computation_lowered:
.L_overlay_start_0:
0x88: {  	s2 =	sld [smem:$0x3FD9]  }
0x89: {  	s3 =	sld [smem:$0x3FFE];
	_ =	sdelay $0x1  }
0x8a: {  	s1 =	srdreg.scid  }
0x8b: {  	s0 =	sand.u32 $0x1, s1  }
0x8c: {  	s17 =	sshll.u32 s0, $0xA;
	s2 =	sadd.s32 s3, s2  }
0x8d: {  	s2 =	sadd.s32 s2, s17  }
0x8e: {  	[smem:$0x3FC4] =	sst s2  }
0x8f: {  	_ = 	snop  }
0x90: {  	s2 =	sld [smem:$0x3FC9]  }
0x91: {  	s18 =	sld [smem:$0x3FC8]  }
0x92: {  	s4 =	sld [smem:$0x3FD0];
	(tm) =	ssettm $0x1  }
0x93: {  	s5 =	sld [smem:$0x3FFB];
	_ =	sdelay $0x3  }
0x94: {  	_ =	strace s5  }
0x95: {  	s5 =	sld [smem:$0x3FFC];
	_ =	sdelay $0x3  }
0x96: {  	_ =	strace s5  }
0x97: {  	s5 =	sld [smem:$0x3FFD];
	_ =	sdelay $0x3  }
0x98: {  	_ =	strace s5  }
0x99: {  	_ =	strace $0x8FFFFFFF  }
0x9a: {  	s19 =	sld [smem:$0x3FDB];
	_ =	sdelay $0x1  }
0x9b: {  	s6 =	simm.s32 $_scs_section_size  }
0x9c: {  	s7 =	simm.s32 $_size__tile_overlayer_lowered;
	s8 =	simm.s32 $_tile_overlayer_lowered  }
0x9d: {  	s22 =	simm.s32 $0x1BFF;
	s21 =	sshll.u32 s8, $0x1;
	s5 =	sadd.s32 s6, s19  }
0x9e: {  	s9 =	simm.s32 $0x0;
	s20 =	sshll.u32 s7, $0x1;
	s7 =	sadd.s32 s21, s5  }
0x9f: {  	[timem:s9], [sflag:s22] =	dma.local [hbm:s7], s20  }
0xa0: {  	_ =	swait.ge [sflag:s22], s20  }
0xa1: {  	s6 =	ssub.s32 $0x0, s20;
	[sflag:s22] =	ssyncset.done $0x0  }
0xa2: {  	[sflag:s22] =	ssyncadd.s32 s6;
	_ =	sdelay $0x1  }
0xa3: {  	s23 =	simm.s32 $0x1B8B  }
0xa4: {  	_ =	swait.ge [sflag:s23], $0x1  }
0xa5: {  	[sflag:s23] =	ssyncset.done $0x0  }
0xa6: {  	s25 =	simm.s32 $0x1B8E;
	s24 =	sld [smem:$0x3FFE];
	[sflag:s23] =	ssyncadd.s32 $0xFFFFFFFF  }
0xa7: {  	s26 =	simm.s32 $execute0_lowered;
	[smem:$0x3FD2] =	sst s25  }
0xa8: {  	s7 =	sshll.u32 s26, $0x1;
	_ =	strace $0x80000046;
	[dreg:$0x1] =	wrdreg $0xFFFFFFFF  }
0xa9: {  	s28 =	simm.s32 $_size_execute0_lowered;
	s5 =	sadd.s32 s5, s7;
	[dreg:$0x0] =	wrdreg $0x0  }
0xaa: {  	s7 =	sshll.u32 s28, $0x1;
	[dreg:$0x2] =	wrdreg s5  }
0xab: {  	[dreg:$0x3] =	wrdreg s7  }
0xac: {  	[dreg:$0x4] =	wrdreg $0xC0  }
0xad: {  	_ =	task [dreg:s9], $0x5FFFF  }
0xae: {  	[dreg:$0x1] =	wrdreg $0xFFFFFFFF  }
0xaf: {  	[dreg:$0x0] =	wrdreg $0x60  }
0xb0: {  	[dreg:$0x2] =	wrdreg s2  }
0xb1: {  	[dreg:$0x3] =	wrdreg s18  }
0xb2: {  	[dreg:$0x4] =	wrdreg s24  }
0xb3: {  	[dreg:$0x5] =	wrdreg s4  }
0xb4: {  	[dreg:$0x6] =	wrdreg $0x9  }
0xb5: {  	_ =	task.clear_ibuf [dreg:s9], $0x7FFFF;
	_ =	strace $0x90000046  }
0xb6: {  	s29 =	simm.s32 $0x9;
	_ =	strace $0x80000048  }
0xb7: {  	_ =	swait.ge [sflag:s29], $0x1  }
0xb8: {  	[sflag:s29] =	ssyncadd.s32 $0xFFFFFFFF  }
0xb9: {  	_ =	strace $0x90000048  }
0xba: {  	_ =	sfence  }
0xbb: {  	s30 =	sld [smem:$0x0];
	_ =	sdelay $0x2  }
0xbc: {  	s31 =	sshll.u32 s1, $0xD;
	s1 =	sshrl.u32 s1, $0x2  }
0xbd: {  	s3 =	sand.u32 $0x4000, s31;
	s1 =	sadd.s32 s1, s30  }
0xbe: {  	s0 =	sor.u32 s3, s0;
	s1 =	sshll.u32 s1, $0x11  }
0xbf: {  	s0 =	sor.u32 s1, s0  }
0xc0: {  	s0 =	sadd.s32 $0x8F2B, s0  }
0xc1: {  	[sflag:s0] =	ssyncadd.remote.s32 $0x1  }
0xc2: {  	_ =	sfence.sel $0xFFFF  }
0xc3: {  	[dreg:$0x0] =	wrdreg $0xFFFFFFFF;
	(pc) =	sbr.abs _section_cstart, $3  }
0xc4: {  	[dreg:$0x1] =	wrdreg $0xFFFFFFFF  }
0xc5: {  	_ =	task.clear_ibuf [dreg:s9], $0x2FFFF;
	_ =	strace $0x9FFFFFFF  }
0xc6: {  	(tm) =	ssettm $0x7FFFFFFF  }
0xc7: {  	_ =	shalt  }
tec
execute0_lowered:
.L_overlay_start_1:
0x0: {  	(tag) =	ssettag $0x1  }
0x1: {  	s5 =	rddreg [dreg:$0x0]  }
0x2: {  	v0 =	vimm.s32 $0xFEDCBA98;
	s6 =	rddreg [dreg:$0x1];
	v1 =	vimm.s32 $0x76543210  }
0x3: {  	s4 =	rddreg [dreg:$0x2];
	v2 =	vimm.s32 $0xBA98FEDC;
	v3 =	vimm.s32 $0x32107654;
	v4 =	vimm.s32 $0xDCFE98BA  }
0x4: {  	s7 =	rddreg [dreg:$0x3];
	v5 =	vimm.s32 $0x54761032;
	v6 =	vimm.s32 $0xEFCDAB89;
	v7 =	vimm.s32 $0x67452301  }
0x5: {  	s0 =	simm.s32 $0x0;
	s1 =	rddreg [dreg:$0x4];
	vm0 =	vmmov $0x1;
	vm1 =	vmmov $0x3;
	vm2 =	vmmov $0x7  }
0x6: {  	s8 =	srdreg.scid;
	s2 =	stileid.u32;
	s12 =	simm.s32 $0x400;
	vm3 =	vmmov $0xf;
	vm4 =	vmmov $0x1f;
	v0 =	vunpack.c.l.s4.s8 v0  }
0x7: {  	s13 =	simm.s32 $0x8400;
	s14 =	simm.s32 $0x2400;
	s15 =	simm.s32 $0x280;
	v1 =	vunpack.c.l.s4.s8 v1;
	v2 =	vunpack.c.l.s4.s8 v2;
	v3 =	vunpack.c.l.s4.s8 v3  }
0x8: {  	s16 =	simm.s32 $0xA400;
	s17 =	simm.s32 $0x100;
	s18 =	simm.s32 $0x4400;
	v4 =	vunpack.c.l.s4.s8 v4;
	v5 =	vunpack.c.l.s4.s8 v5;
	v6 =	vunpack.c.l.s4.s8 v6  }
0x9: {  	s19 =	simm.s32 $0x300;
	s20 =	simm.s32 $0xC400;
	s21 =	simm.s32 $0x180;
	v7 =	vunpack.c.l.s4.s8 v7;
	v0 =	vunpack.c.0.s8.s32 v0;
	v2 =	vunpack.c.0.s8.s32 v2  }
0xa: {  	s22 =	simm.s32 $0x6400;
	s23 =	simm.s32 $0x380;
	s24 =	simm.s32 $0xE400;
	v3 =	vunpack.c.0.s8.s32 v3;
	v4 =	vunpack.c.0.s8.s32 v4;
	v1 =	vunpack.c.0.s8.s32 v1  }
0xb: {  	s25 =	simm.s32 $0x1;
	s26 =	simm.s32 $0x10400;
	s28 =	simm.s32 $0x0;
	v5 =	vunpack.c.0.s8.s32 v5;
	v6 =	vunpack.c.0.s8.s32 v6;
	v0 =	vand.u32 $0xF, v0  }
0xc: {  	[smem:$0x7FF] =	sst s0;
	s3 =	sadd.s32 $0xF42800, s4;
	s8 =	sand.u32 $0x1, s8;
	v7 =	vunpack.c.0.s8.s32 v7;
	v2 =	vcombine.low v3, v2;
	v0 =	vcombine.low v0, v1  }
0xd: {  	vm5 =	vmmov $0x3f;
	vm6 =	vmmov $0x7f;
	s10 =	sshll.u32 s2, $0x7;
	s4 =	sadd.s32 $0x16E3A00, s4;
	s9 =	ssub.s32 $0x2, s8;
	v59 =	vcombine.low v5, v4  }
0xe: {  	vm7 =	vmmov $0xff;
	_ =	strace $0x80000047;
	s8 =	sshll.u32 s8, $0x6;
	s11 =	sshrl.u32 s9, $0x1;
	v60 =	vcombine.low v7, v6;
	v61 =	vand.u32 $0xF, v2;
	[tilespmem:$0x1FFC0] =	vst v0  }
0xf: {  	vm8 =	vmmov $0x1ff;
	vm9 =	vmmov $0x3ff;
	s8 =	sor.u32 s8, s10;
	s10 =	simm.s32 $0x200;
	s9 =	ssub.s32 s9, s11;
	v62 =	vand.u32 $0xF, v59;
	[tilespmem:$0x1FFD0] =	vst v61  }
0x10: {  	vm10 =	vmmov $0x7ff;
	vm11 =	vmmov $0xfff;
	s5 =	sadd.s32 s5, s8;
	s6 =	sadd.s32 s6, s8;
	s7 =	sadd.s32 s7, s8;
	v63 =	vand.u32 $0xF, v60;
	[tilespmem:$0x1FFE0] =	vst v62  }
0x11: {  	vm12 =	vmmov $0x1fff;
	vm13 =	vmmov $0x3fff;
	vm14 =	vmmov $0x7fff;
	s11 =	simm.s32 $0x80;
	s8 =	smax.u32 s9, $0x1;
	s9 =	simm.s32 $0x2;
	[tilespmem:$0x1FFF0] =	vst v63  }
.LBB2_1:
0x12: {  	[tilespmem:s0], [sflag:$0x2] =	stream.linear.gather [hbm4b:s5+s0], $0x200, $0x38;
	[tilespmem:$0x10600] =	vst v63  }
0x13: {  	_ =	swait.ge [sflag:s9], $0x200  }
0x14: {  	[sflag:s9] =	ssyncset.done $0x0  }
0x15: {  	[sflag:s9] =	ssyncadd.s32 $0xFFFFFE00  }
0x16: {  	[tilespmem:s10], [sflag:$0x2] =	stream.linear.gather [hbm4b:s6+s0], $0x200, $0x38;
	[tilespmem:$0x10600] =	vst v63  }
0x17: {  	_ =	swait.ge [sflag:s9], $0x200  }
0x18: {  	[sflag:s9] =	ssyncset.done $0x0  }
0x19: {  	[sflag:s9] =	ssyncadd.s32 $0xFFFFFE00  }
0x1a: {  	[tilespmem:s12], [sflag:$0x1] =	stream.indirect.gather [hbm4b:s3+s11], $0x40, s0, s11, $0xb8;
	[tilespmem:$0x10600] =	vst v63  }
0x1b: {  	_ = 	snop  }
0x1c: {  	[tilespmem:s13], [sflag:$0x1] =	stream.indirect.gather [hbm4b:s4+s11], $0x40, s10, s11, $0xb8;
	[tilespmem:$0x10600] =	vst v63  }
0x1d: {  	_ = 	snop  }
0x1e: {  	[tilespmem:s14], [sflag:$0x1] =	stream.indirect.gather [hbm4b:s3+s11], $0x40, s11, s11, $0xb8;
	[tilespmem:$0x10600] =	vst v63  }
0x1f: {  	_ = 	snop  }
0x20: {  	[tilespmem:s16], [sflag:$0x1] =	stream.indirect.gather [hbm4b:s4+s11], $0x40, s15, s11, $0xb8;
	[tilespmem:$0x10600] =	vst v63  }
0x21: {  	_ = 	snop  }
0x22: {  	[tilespmem:s18], [sflag:$0x1] =	stream.indirect.gather [hbm4b:s3+s11], $0x40, s17, s11, $0xb8;
	[tilespmem:$0x10600] =	vst v63  }
0x23: {  	_ = 	snop  }
0x24: {  	[tilespmem:s20], [sflag:$0x1] =	stream.indirect.gather [hbm4b:s4+s11], $0x40, s19, s11, $0xb8;
	[tilespmem:$0x10600] =	vst v63  }
0x25: {  	_ = 	snop  }
0x26: {  	[tilespmem:s22], [sflag:$0x1] =	stream.indirect.gather [hbm4b:s3+s11], $0x40, s21, s11, $0xb8;
	[tilespmem:$0x10600] =	vst v63  }
0x27: {  	_ = 	snop  }
0x28: {  	[tilespmem:s24], [sflag:$0x1] =	stream.indirect.gather [hbm4b:s4+s11], $0x40, s23, s11, $0xb8;
	[tilespmem:$0x10600] =	vst v63  }
0x29: {  	_ =	swait.ge [sflag:s25], $0x2000  }
0x2a: {  	[sflag:s25] =	ssyncset.done $0x0  }
0x2b: {  	[sflag:s25] =	ssyncadd.s32 $0xFFFFE000  }
0x2c: {  	_ =	swait.ge [sflag:s25], $0x2000  }
0x2d: {  	[sflag:s25] =	ssyncset.done $0x0  }
0x2e: {  	[sflag:s25] =	ssyncadd.s32 $0xFFFFE000  }
0x2f: {  	_ =	swait.ge [sflag:s25], $0x2000  }
0x30: {  	[sflag:s25] =	ssyncset.done $0x0  }
0x31: {  	[sflag:s25] =	ssyncadd.s32 $0xFFFFE000  }
0x32: {  	_ =	swait.ge [sflag:s25], $0x2000  }
0x33: {  	[sflag:s25] =	ssyncset.done $0x0  }
0x34: {  	[sflag:s25] =	ssyncadd.s32 $0xFFFFE000  }
0x35: {  	_ =	swait.ge [sflag:s25], $0x2000  }
0x36: {  	[sflag:s25] =	ssyncset.done $0x0  }
0x37: {  	[sflag:s25] =	ssyncadd.s32 $0xFFFFE000  }
0x38: {  	_ =	swait.ge [sflag:s25], $0x2000  }
0x39: {  	[sflag:s25] =	ssyncset.done $0x0  }
0x3a: {  	[sflag:s25] =	ssyncadd.s32 $0xFFFFE000  }
0x3b: {  	_ =	swait.ge [sflag:s25], $0x2000  }
0x3c: {  	[sflag:s25] =	ssyncset.done $0x0  }
0x3d: {  	[sflag:s25] =	ssyncadd.s32 $0xFFFFE000  }
0x3e: {  	_ =	swait.ge [sflag:s25], $0x2000  }
0x3f: {  	[sflag:s25] =	ssyncset.done $0x0;
	v1 =	vld [tilespmem:$0x1FFC0]  }
0x40: {  	s29 =	simm.s32 $0x0;
	v2 =	vld [tilespmem:$0x1FFD0];
	[sflag:s25] =	ssyncadd.s32 $0xFFFFE000  }
0x41: {  	v7 =	vld [tilespmem:s29+$0x7F0]  }
0x42: {  	v6 =	vld [tilespmem:s29+$0x87F0]  }
0x43: {  	v11 =	vld [tilespmem:s29+$0x7B0]  }
0x44: {  	v9 =	vld [tilespmem:s29+$0x87B0]  }
0x45: {  	v8 =	vld [tilespmem:s29+$0x7E0]  }
0x46: {  	v13 =	vld [tilespmem:s29+$0x87E0]  }
0x47: {  	v15 =	vld [tilespmem:s29+$0x770]  }
0x48: {  	v24 =	vld [tilespmem:s29+$0x8770]  }
0x49: {  	v14 =	vld [tilespmem:s29+$0x7A0]  }
0x4a: {  	v16 =	vld [tilespmem:s29+$0x87A0]  }
0x4b: {  	v17 =	vld [tilespmem:s29+$0x7D0]  }
0x4c: {  	v21 =	vld [tilespmem:s29+$0x87D0]  }
0x4d: {  	v25 =	vld [tilespmem:s29+$0x730]  }
0x4e: {  	v28 =	vld [tilespmem:s29+$0x8730]  }
0x4f: {  	v29 =	vld [tilespmem:s29+$0x760]  }
0x50: {  	v30 =	vld [tilespmem:s29+$0x8760]  }
0x51: {  	v31 =	vld [tilespmem:s29+$0x790]  }
0x52: {  	v32 =	vld [tilespmem:s29+$0x8790]  }
0x53: {  	v10 =	vld [tilespmem:s29+$0x7C0]  }
0x54: {  	v20 =	vld [tilespmem:s29+$0x87C0]  }
0x55: {  	v0 =	vld [tilespmem:s29+$0x6F0]  }
0x56: {  	v34 =	vld [tilespmem:s29+$0x86F0]  }
0x57: {  	v35 =	vld [tilespmem:s29+$0x720]  }
0x58: {  	v36 =	vld [tilespmem:s29+$0x8720]  }
0x59: {  	v37 =	vld [tilespmem:s29+$0x750]  }
0x5a: {  	v38 =	vld [tilespmem:s29+$0x8750]  }
0x5b: {  	v39 =	vld [tilespmem:s29+$0x780]  }
0x5c: {  	v40 =	vld [tilespmem:s29+$0x8780]  }
0x5d: {  	v41 =	vld [tilespmem:s29+$0x6B0]  }
0x5e: {  	v42 =	vld [tilespmem:s29+$0x86B0]  }
0x5f: {  	v43 =	vld [tilespmem:s29+$0x6E0]  }
0x60: {  	v44 =	vld [tilespmem:s29+$0x86E0]  }
0x61: {  	v45 =	vld [tilespmem:s29+$0x710]  }
0x62: {  	v46 =	vld [tilespmem:s29+$0x8710]  }
0x63: {  	v47 =	vld [tilespmem:s29+$0x740]  }
0x64: {  	v48 =	vld [tilespmem:s29+$0x8740]  }
0x65: {  	v49 =	vld [tilespmem:s29+$0x670]  }
0x66: {  	v50 =	vld [tilespmem:s29+$0x8670]  }
0x67: {  	v51 =	vld [tilespmem:s29+$0x6A0]  }
0x68: {  	v52 =	vld [tilespmem:s29+$0x86A0]  }
0x69: {  	v53 =	vld [tilespmem:s29+$0x6D0]  }
0x6a: {  	v54 =	vld [tilespmem:s29+$0x86D0]  }
0x6b: {  	v55 =	vld [tilespmem:s29+$0x700]  }
0x6c: {  	v56 =	vld [tilespmem:s29+$0x8700]  }
0x6d: {  	v57 =	vld [tilespmem:s29+$0x630]  }
0x6e: {  	v58 =	vld [tilespmem:s29+$0x8630]  }
0x6f: {  	v59 =	vld [tilespmem:s29+$0x660]  }
0x70: {  	v60 =	vld [tilespmem:s29+$0x8660]  }
0x71: {  	v61 =	vld [tilespmem:s29+$0x690]  }
0x72: {  	v62 =	vld [tilespmem:s29+$0x8690]  }
0x73: {  	v63 =	vld [tilespmem:s29+$0x6C0]  }
0x74: {  	v5 =	vld [tilespmem:s29+$0x86C0]  }
0x75: {  	v33 =	vld [tilespmem:s29+$0x650]  }
0x76: {  	v26 =	vld [tilespmem:s29+$0x8650]  }
0x77: {  	v18 =	vld [tilespmem:s29+$0x680]  }
0x78: {  	v12 =	vld [tilespmem:s29+$0x8680]  }
0x79: {  	v3 =	vld [tilespmem:s29+$0x5B0]  }
0x7a: {  	v27 =	vld [tilespmem:s29+$0x610]  }
0x7b: {  	v23 =	vld [tilespmem:s29+$0x8610]  }
0x7c: {  	v22 =	vld [tilespmem:s29+$0x640]  }
0x7d: {  	v19 =	vld [tilespmem:s29+$0x8640]  }
0x7e: {  	[tilespmem:$0x1FEA0] =	vst v0;
	v0 =	vld [tilespmem:s29+$0x5F0]  }
0x7f: {  	v4 =	vmul.f32 v20, v10;
	v10 =	vld [tilespmem:s29+$0x8570]  }
0x80: {  	v20 =	vld [tilespmem:s29+$0x5A0]  }
0x81: {  	v17 =	vmul.f32 v21, v17;
	v21 =	vld [tilespmem:s29+$0x85A0]  }
0x82: {  	v39 =	vmul.f32 v40, v39;
	v40 =	vld [tilespmem:s29+$0x5D0]  }
0x83: {  	v6 =	vmul.f32 v6, v7;
	v7 =	vmul.f32 v32, v31;
	v31 =	vld [tilespmem:s29+$0x85D0]  }
0x84: {  	v9 =	vmul.f32 v9, v11;
	v11 =	vld [tilespmem:s29+$0x600]  }
0x85: {  	v32 =	vld [tilespmem:s29+$0x8600]  }
0x86: {  	v14 =	vmul.f32 v16, v14;
	v16 =	vld [tilespmem:s29+$0x8530]  }
0x87: {  	v25 =	vmul.f32 v28, v25;
	v28 =	vld [tilespmem:s29+$0x8520]  }
0x88: {  	v41 =	vmul.f32 v42, v41;
	v42 =	vld [tilespmem:s29+$0x84E0]  }
0x89: {  	[tilespmem:$0x1FEF0] =	vst v0;
	v0 =	vld [tilespmem:s29+$0x85F0]  }
0x8a: {  	v19 =	vmul.f32 v19, v22;
	v22 =	vld [tilespmem:s29+$0x8540]  }
0x8b: {  	v37 =	vmul.f32 v38, v37;
	v38 =	vld [tilespmem:s29+$0x84D0]  }
0x8c: {  	v26 =	vmul.f32 v26, v33;
	v33 =	vld [tilespmem:s29+$0x500]  }
0x8d: {  	v8 =	vmul.f32 v13, v8;
	v13 =	vadd.f32 $0.0e+00, v39;
	v39 =	vld [tilespmem:s29+$0x4E0]  }
0x8e: {  	v4 =	vadd.f32 $0.0e+00, v4;
	v19 =	vadd.f32 $0.0e+00, v19;
	[tilespmem:$0x1FF00] =	vst v0;
	v0 =	vld [tilespmem:s29+$0x620]  }
0x8f: {  	v7 =	vadd.f32 v7, v13;
	v13 =	vld [tilespmem:s29+$0x530]  }
0x90: {  	v4 =	vadd.f32 v17, v4;
	v19 =	vadd.f32 v26, v19;
	v26 =	vld [tilespmem:s29+$0x4A0]  }
0x91: {  	v17 =	vmul.f32 v48, v47;
	v11 =	vmul.f32 v32, v11;
	v32 =	vld [tilespmem:s29+$0x8430]  }
0x92: {  	v23 =	vmul.f32 v23, v27;
	v27 =	vmul.f32 v31, v40;
	v31 =	vld [tilespmem:s29+$0x4D0];
	v4 =	vadd.f32 v8, v4  }
0x93: {  	v8 =	vmul.f32 v56, v55;
	v17 =	vadd.f32 $0.0e+00, v17;
	[tilespmem:$0x1FEB0] =	vst v0;
	v0 =	vld [tilespmem:s29+$0x8620]  }
0x94: {  	v29 =	vmul.f32 v30, v29;
	v40 =	vld [tilespmem:s29+$0x8500];
	v7 =	vadd.f32 v14, v7;
	v4 =	vadd.f32 v6, v4  }
0x95: {  	v14 =	vld [tilespmem:s29+$0x560];
	v6 =	vadd.f32 $0.0e+00, v8;
	v8 =	vmul.f32 v46, v45;
	v30 =	vadd.f32 v37, v17  }
0x96: {  	v15 =	vmul.f32 v24, v15;
	v56 =	vld [tilespmem:$0x1FFE0];
	v55 =	vmul.f32 v44, v43  }
0x97: {  	v44 =	vld [tilespmem:s29+$0x8580];
	v6 =	vadd.f32 v8, v6;
	v8 =	vmul.f32 v36, v35;
	v24 =	vadd.f32 v29, v30  }
0x98: {  	[tilespmem:$0x1FEC0] =	vst v0;
	v0 =	vld [tilespmem:s29+$0x85B0]  }
0x99: {  	v43 =	vmul.f32 v50, v49;
	v49 =	vld [tilespmem:s29+$0x540];
	v6 =	vadd.f32 v8, v6;
	v15 =	vadd.f32 v15, v24  }
0x9a: {  	v39 =	vmul.f32 v42, v39;
	v42 =	vld [tilespmem:s29+$0x8490]  }
0x9b: {  	v5 =	vmul.f32 v5, v63;
	v17 =	vld [tilespmem:s29+$0x8560];
	v6 =	vadd.f32 v25, v6;
	v25 =	vperm.xlane v15, v1  }
0x9c: {  	v7 =	vadd.f32 v9, v7;
	v9 =	vperm.xlane v4, v1;
	v35 =	vld [tilespmem:s29+$0x85C0]  }
0x9d: {  	v5 =	vadd.f32 $0.0e+00, v5;
	v48 =	vmul.f32 v54, v53;
	v15 =	vadd.f32 v15, v25;
	[tilespmem:$0x1FF10] =	vst v0;
	v0 =	vld [tilespmem:s29+$0x5E0]  }
0x9e: {  	v4 =	vadd.f32 v4, v9;
	v9 =	vld [tilespmem:s29+$0x5C0]  }
0x9f: {  	v5 =	vadd.f32 v48, v5;
	v37 =	vld [tilespmem:s29+$0x590];
	v53 =	vperm.xlane v15, v2  }
0xa0: {  	v45 =	vld [tilespmem:s29+$0x580]  }
0xa1: {  	v36 =	vadd.f32 v15, v53;
	v53 =	vadd.f32 v55, v5;
	v5 =	vld [tilespmem:$0x1FEA0]  }
0xa2: {  	v29 =	vperm.xlane v7, v1;
	[tilespmem:$0x1FED0] =	vst v0;
	v0 =	vld [tilespmem:s29+$0x85E0]  }
0xa3: {  	v30 =	vld [tilespmem:s29+$0x8590];
	v9 =	vmul.f32 v35, v9  }
0xa4: {  	v12 =	vmul.f32 v12, v18;
	v7 =	vadd.f32 v7, v29;
	v8 =	vld [tilespmem:s29+$0x4F0];
	v29 =	vperm.xlane v4, v2  }
0xa5: {  	v25 =	vld [tilespmem:s29+$0x550];
	v9 =	vadd.f32 $0.0e+00, v9  }
0xa6: {  	v12 =	vadd.f32 $0.0e+00, v12;
	v4 =	vadd.f32 v4, v29;
	v29 =	vld [tilespmem:s29+$0x8550];
	v34 =	vmul.f32 v34, v5  }
0xa7: {  	v20 =	vmul.f32 v21, v20;
	v11 =	vadd.f32 $0.0e+00, v11;
	v9 =	vadd.f32 v27, v9;
	v27 =	vld [tilespmem:$0x1FED0];
	[tilespmem:$0x1FEE0] =	vst v0  }
0xa8: {  	v13 =	vmul.f32 v16, v13;
	v22 =	vmul.f32 v22, v49;
	v18 =	vadd.f32 v34, v53;
	v53 =	vld [tilespmem:$0x1FEE0]  }
0xa9: {  	v11 =	vadd.f32 v23, v11;
	v33 =	vmul.f32 v40, v33;
	v24 =	vld [tilespmem:s29+$0x520];
	v46 =	vperm.xlane v7, v2  }
0xaa: {  	v22 =	vadd.f32 $0.0e+00, v22;
	v47 =	vperm.xlane v6, v1;
	v23 =	vld [tilespmem:$0x1FEB0];
	v54 =	vperm.xlane v4, v56  }
0xab: {  	v30 =	vmul.f32 v30, v37;
	v7 =	vadd.f32 v7, v46;
	v35 =	vld [tilespmem:s29+$0x470];
	v55 =	vmul.f32 v62, v61  }
0xac: {  	v6 =	vadd.f32 v6, v47;
	v47 =	vld [tilespmem:s29+$0x430];
	v4 =	vadd.f32 v4, v54;
	v25 =	vmul.f32 v29, v25  }
0xad: {  	v54 =	vmul.f32 v52, v51;
	v52 =	vld [tilespmem:$0x1FEC0];
	v12 =	vadd.f32 v55, v12;
	v27 =	vmul.f32 v53, v27  }
0xae: {  	v63 =	vperm.xlane v7, v56;
	v48 =	vperm.xlane v6, v2;
	v55 =	vld [tilespmem:$0x1FF00];
	v22 =	vadd.f32 v25, v22  }
0xaf: {  	v12 =	vadd.f32 v54, v12;
	v54 =	vmul.f32 v44, v45;
	v9 =	vadd.f32 v27, v9;
	v27 =	vld [tilespmem:$0x1FEF0]  }
0xb0: {  	v29 =	vld [tilespmem:s29+$0x8450];
	v5 =	vadd.f32 v7, v63;
	v7 =	vadd.f32 v6, v48;
	v6 =	vperm.xlane v36, v56  }
0xb1: {  	v25 =	vld [tilespmem:s29+$0x8460];
	v63 =	vmul.f32 v60, v59;
	v12 =	vadd.f32 v41, v12;
	v41 =	vadd.f32 $0.0e+00, v54  }
0xb2: {  	v31 =	vmul.f32 v38, v31;
	v45 =	vld [tilespmem:s29+$0x490];
	v23 =	vmul.f32 v52, v23;
	v6 =	vadd.f32 v36, v6  }
0xb3: {  	v62 =	vmul.f32 v58, v57;
	v44 =	vld [tilespmem:s29+$0x84C0];
	v19 =	vadd.f32 v63, v19;
	v30 =	vadd.f32 v30, v41  }
0xb4: {  	v48 =	vld [tilespmem:s29+$0x8410];
	v11 =	vadd.f32 v23, v11;
	v23 =	vperm.xlane v12, v1;
	v27 =	vmul.f32 v55, v27  }
0xb5: {  	v61 =	vperm.xlane v18, v1;
	v19 =	vadd.f32 v43, v19;
	v20 =	vadd.f32 v20, v30;
	v30 =	vld [tilespmem:$0x1FF10]  }
0xb6: {  	v34 =	vld [tilespmem:s29+$0x510];
	v46 =	vperm.xlane v7, v56;
	v12 =	vadd.f32 v12, v23;
	v9 =	vadd.f32 v27, v9  }
0xb7: {  	v36 =	vld [tilespmem:s29+$0x8510];
	v11 =	vadd.f32 v62, v11;
	v18 =	vadd.f32 v18, v61;
	v57 =	vperm.xlane v19, v1  }
0xb8: {  	v41 =	vld [tilespmem:s29+$0x4C0];
	v7 =	vadd.f32 v7, v46;
	v59 =	vperm.xlane v12, v2;
	v21 =	vperm.xlane v9, v1  }
0xb9: {  	v43 =	vld [tilespmem:s29+$0x420];
	v58 =	vperm.xlane v11, v1;
	v51 =	vperm.xlane v18, v2;
	v19 =	vadd.f32 v19, v57  }
0xba: {  	v23 =	vld [tilespmem:s29+$0x8420];
	v12 =	vadd.f32 v12, v59;
	v30 =	vmul.f32 v30, v3;
	v9 =	vadd.f32 v9, v21  }
0xbb: {  	v57 =	vld [tilespmem:s29+$0x450];
	v11 =	vadd.f32 v11, v58;
	v18 =	vadd.f32 v18, v51;
	v60 =	vperm.xlane v19, v2  }
0xbc: {  	v0 =	vld [tilespmem:s29+$0x570];
	v63 =	vperm.xlane v12, v56;
	v20 =	vadd.f32 v30, v20;
	v30 =	vperm.xlane v9, v2  }
0xbd: {  	v61 =	vperm.xlane v11, v2;
	v19 =	vadd.f32 v19, v60;
	v62 =	vperm.xlane v18, v56;
	v60 =	vld [tilespmem:s29+$0x8400]  }
0xbe: {  	v12 =	vadd.f32 v12, v63;
	v63 =	vld [tilespmem:s29+$0x8440];
	v59 =	vperm.xlane v20, v1;
	v30 =	vadd.f32 v9, v30  }
0xbf: {  	v46 =	vadd.f32 v11, v61;
	v58 =	vperm.xlane v19, v56;
	v11 =	vadd.f32 v18, v62;
	v18 =	vld [tilespmem:s29+$0x480]  }
0xc0: {  	v33 =	vadd.f32 $0.0e+00, v33;
	v62 =	vld [tilespmem:s29+$0x440];
	v16 =	vadd.f32 v20, v59;
	v20 =	vperm.xlane v30, v56  }
0xc1: {  	v14 =	vmul.f32 v17, v14;
	v24 =	vmul.f32 v28, v24;
	v9 =	vadd.f32 v19, v58;
	v19 =	vld [tilespmem:s29+$0x400]  }
0xc2: {  	v23 =	vmul.f32 v23, v43;
	v43 =	vmul.f32 v44, v41;
	v20 =	vadd.f32 v30, v20;
	v30 =	vld [tilespmem:s29+$0x8480]  }
0xc3: {  	v14 =	vadd.f32 v14, v22;
	v34 =	vmul.f32 v36, v34;
	v61 =	vperm.xlane v46, v56;
	v21 =	vld [tilespmem:s29+$0x410]  }
0xc4: {  	v36 =	vadd.f32 $0.0e+00, v43;
	v29 =	vmul.f32 v29, v57;
	v28 =	vperm.xlane v16, v2;
	v27 =	vld [tilespmem:s29+$0x460]  }
0xc5: {  	v15 =	vld [tilespmem:s29+$0x4B0];
	v10 =	vmul.f32 v10, v0;
	v17 =	vadd.f32 v46, v61;
	v37 =	vmul.f32 v63, v62  }
0xc6: {  	v44 =	vld [tilespmem:s29+$0x84A0];
	v16 =	vadd.f32 v16, v28;
	v28 =	vmul.f32 v32, v47;
	v19 =	vmul.f32 v60, v19  }
0xc7: {  	v22 =	vld [tilespmem:s29+$0x8470];
	v10 =	vadd.f32 v10, v14;
	v32 =	vmul.f32 v42, v45;
	v18 =	vmul.f32 v30, v18  }
0xc8: {  	v47 =	vld [tilespmem:s29+$0x84B0];
	v46 =	vadd.f32 $0.0e+00, v37;
	v21 =	vmul.f32 v48, v21;
	v19 =	vadd.f32 $0.0e+00, v19  }
0xc9: {  	v25 =	vmul.f32 v25, v27;
	v27 =	vadd.f32 v31, v36;
	v48 =	vld [tilespmem:s29+$0x84F0];
	v18 =	vadd.f32 $0.0e+00, v18  }
0xca: {  	v19 =	vadd.f32 v21, v19;
	v21 =	vadd.f32 v29, v46  }
0xcb: {  	v26 =	vmul.f32 v44, v26;
	v30 =	vadd.f32 v34, v33;
	v18 =	vadd.f32 v32, v18  }
0xcc: {  	v22 =	vmul.f32 v22, v35;
	v19 =	vadd.f32 v23, v19;
	v21 =	vadd.f32 v25, v21  }
0xcd: {  	v15 =	vmul.f32 v47, v15;
	v23 =	vadd.f32 v39, v27;
	v18 =	vadd.f32 v26, v18  }
0xce: {  	v8 =	vmul.f32 v48, v8;
	v19 =	vadd.f32 v28, v19;
	v21 =	vadd.f32 v22, v21  }
0xcf: {  	v15 =	vadd.f32 v15, v18;
	v18 =	vadd.f32 v24, v30  }
0xd0: {  	v8 =	vadd.f32 v8, v23;
	v25 =	vperm.xlane v21, v1;
	v24 =	vperm.xlane v19, v1  }
0xd1: {  	v22 =	vperm.xlane v16, v56;
	v23 =	vperm.xlane v15, v1;
	v13 =	vadd.f32 v13, v18  }
0xd2: {  	v14 =	vadd.f32 v19, v24;
	v18 =	vadd.f32 v21, v25;
	v19 =	vperm.xlane v8, v1  }
0xd3: {  	v15 =	vadd.f32 v15, v23;
	v21 =	vperm.xlane v13, v1;
	v23 =	vperm.xlane v10, v1  }
0xd4: {  	v24 =	vperm.xlane v14, v2;
	v25 =	vperm.xlane v18, v2;
	v8 =	vadd.f32 v8, v19  }
0xd5: {  	v19 =	vperm.xlane v15, v2;
	v13 =	vadd.f32 v13, v21;
	v10 =	vadd.f32 v10, v23  }
0xd6: {  	v14 =	vadd.f32 v14, v24;
	v18 =	vadd.f32 v18, v25;
	v21 =	vperm.xlane v8, v2  }
0xd7: {  	v0 =	vld [tilespmem:$0x1FFF0];
	v15 =	vadd.f32 v15, v19;
	v19 =	vperm.xlane v13, v2;
	v23 =	vperm.xlane v10, v2  }
0xd8: {  	v24 =	vperm.xlane v14, v56;
	v25 =	vperm.xlane v18, v56;
	v8 =	vadd.f32 v8, v21  }
0xd9: {  	v21 =	vperm.xlane v15, v56;
	v13 =	vadd.f32 v13, v19;
	v10 =	vadd.f32 v10, v23  }
0xda: {  	v14 =	vadd.f32 v14, v24;
	v18 =	vadd.f32 v18, v25;
	v19 =	vperm.xlane v8, v56  }
0xdb: {  	v15 =	vadd.f32 v15, v21;
	v21 =	vperm.xlane v13, v56;
	v23 =	vperm.xlane v10, v56  }
0xdc: {  	v24 =	vperm.xlane v14, v0;
	v25 =	vperm.xlane v18, v0;
	v8 =	vadd.f32 v8, v19  }
0xdd: {  	v19 =	vperm.xlane v15, v0;
	v13 =	vadd.f32 v13, v21;
	v10 =	vadd.f32 v10, v23  }
0xde: {  	v14 =	vadd.f32 v14, v24;
	v18 =	vadd.f32 v18, v25;
	v21 =	vperm.xlane v8, v0  }
0xdf: {  	v16 =	vadd.f32 v16, v22;
	v15 =	vadd.f32 v15, v19;
	v19 =	vperm.xlane v13, v0  }
0xe0: {  	v14 =	vsel vm0, v14, v18;
	v8 =	vadd.f32 v8, v21;
	v18 =	vperm.xlane v10, v0  }
0xe1: {  	v14 =	vsel vm1, v14, v15;
	v13 =	vadd.f32 v13, v19;
	v15 =	vperm.xlane v16, v0  }
0xe2: {  	v10 =	vadd.f32 v10, v18;
	v8 =	vsel vm2, v14, v8;
	v14 =	vperm.xlane v20, v0  }
0xe3: {  	v8 =	vsel vm3, v8, v13;
	v13 =	vadd.f32 v16, v15;
	v15 =	vperm.xlane v17, v0  }
0xe4: {  	v8 =	vsel vm4, v8, v10;
	v10 =	vadd.f32 v20, v14;
	v14 =	vperm.xlane v9, v0  }
0xe5: {  	v8 =	vsel vm5, v8, v13;
	v13 =	vadd.f32 v17, v15;
	v15 =	vperm.xlane v12, v0  }
0xe6: {  	v8 =	vsel vm6, v8, v10;
	v9 =	vadd.f32 v9, v14;
	v10 =	vperm.xlane v11, v0  }
0xe7: {  	v8 =	vsel vm7, v8, v13;
	v12 =	vadd.f32 v12, v15;
	v13 =	vperm.xlane v7, v0  }
0xe8: {  	v8 =	vsel vm8, v8, v9;
	v9 =	vadd.f32 v11, v10;
	v10 =	vperm.xlane v6, v0  }
0xe9: {  	v11 =	vperm.xlane v5, v0;
	v8 =	vsel vm9, v8, v12;
	v7 =	vadd.f32 v7, v13  }
0xea: {  	v8 =	vsel vm10, v8, v9;
	v6 =	vadd.f32 v6, v10;
	v9 =	vperm.xlane v4, v0  }
0xeb: {  	v5 =	vadd.f32 v5, v11;
	v7 =	vsel vm11, v8, v7  }
0xec: {  	v6 =	vsel vm12, v7, v6;
	v4 =	vadd.f32 v4, v9  }
0xed: {  	v5 =	vsel vm13, v6, v5  }
0xee: {  	v4 =	vsel vm14, v5, v4  }
0xef: {  	s29 =	simm.s32 $0x400;
	[tilespmem:s26+$0x0] =	vst v4  }
0xf0: {  	v7 =	vld [tilespmem:s29+$0x7F0]  }
0xf1: {  	v6 =	vld [tilespmem:s29+$0x87F0]  }
0xf2: {  	v11 =	vld [tilespmem:s29+$0x7B0]  }
0xf3: {  	v10 =	vld [tilespmem:s29+$0x87B0]  }
0xf4: {  	v8 =	vld [tilespmem:s29+$0x7E0]  }
0xf5: {  	v9 =	vld [tilespmem:s29+$0x87E0]  }
0xf6: {  	v12 =	vld [tilespmem:s29+$0x770]  }
0xf7: {  	v13 =	vld [tilespmem:s29+$0x8770]  }
0xf8: {  	v15 =	vld [tilespmem:s29+$0x7A0]  }
0xf9: {  	v16 =	vld [tilespmem:s29+$0x87A0]  }
0xfa: {  	v18 =	vld [tilespmem:s29+$0x7D0]  }
0xfb: {  	v19 =	vld [tilespmem:s29+$0x87D0]  }
0xfc: {  	v32 =	vld [tilespmem:s29+$0x730]  }
0xfd: {  	v21 =	vld [tilespmem:s29+$0x8730]  }
0xfe: {  	v22 =	vld [tilespmem:s29+$0x760]  }
0xff: {  	v23 =	vld [tilespmem:s29+$0x8760]  }
0x100: {  	v24 =	vld [tilespmem:s29+$0x790]  }
0x101: {  	v25 =	vld [tilespmem:s29+$0x8790]  }
0x102: {  	v17 =	vld [tilespmem:s29+$0x7C0]  }
0x103: {  	v28 =	vld [tilespmem:s29+$0x87C0]  }
0x104: {  	v38 =	vld [tilespmem:s29+$0x6F0]  }
0x105: {  	v39 =	vld [tilespmem:s29+$0x86F0]  }
0x106: {  	v40 =	vld [tilespmem:s29+$0x720]  }
0x107: {  	v41 =	vld [tilespmem:s29+$0x8720]  }
0x108: {  	v29 =	vld [tilespmem:s29+$0x750]  }
0x109: {  	v30 =	vld [tilespmem:s29+$0x8750]  }
0x10a: {  	v31 =	vld [tilespmem:s29+$0x780]  }
0x10b: {  	v34 =	vld [tilespmem:s29+$0x8780]  }
0x10c: {  	v42 =	vld [tilespmem:s29+$0x6B0]  }
0x10d: {  	v43 =	vld [tilespmem:s29+$0x86B0]  }
0x10e: {  	v44 =	vld [tilespmem:s29+$0x6E0]  }
0x10f: {  	v45 =	vld [tilespmem:s29+$0x86E0]  }
0x110: {  	v46 =	vld [tilespmem:s29+$0x710]  }
0x111: {  	v47 =	vld [tilespmem:s29+$0x8710]  }
0x112: {  	v48 =	vld [tilespmem:s29+$0x740]  }
0x113: {  	v49 =	vld [tilespmem:s29+$0x8740]  }
0x114: {  	v50 =	vld [tilespmem:s29+$0x670]  }
0x115: {  	v51 =	vld [tilespmem:s29+$0x8670]  }
0x116: {  	v52 =	vld [tilespmem:s29+$0x6A0]  }
0x117: {  	v53 =	vld [tilespmem:s29+$0x86A0]  }
0x118: {  	v54 =	vld [tilespmem:s29+$0x6D0]  }
0x119: {  	v55 =	vld [tilespmem:s29+$0x86D0]  }
0x11a: {  	v0 =	vld [tilespmem:s29+$0x700]  }
0x11b: {  	v57 =	vld [tilespmem:s29+$0x8700]  }
0x11c: {  	v58 =	vld [tilespmem:s29+$0x630]  }
0x11d: {  	v59 =	vld [tilespmem:s29+$0x8630]  }
0x11e: {  	v60 =	vld [tilespmem:s29+$0x660]  }
0x11f: {  	v3 =	vld [tilespmem:s29+$0x8660]  }
0x120: {  	v62 =	vld [tilespmem:s29+$0x690]  }
0x121: {  	v63 =	vld [tilespmem:s29+$0x8690]  }
0x122: {  	v5 =	vld [tilespmem:s29+$0x6C0]  }
0x123: {  	v4 =	vld [tilespmem:s29+$0x86C0]  }
0x124: {  	v14 =	vld [tilespmem:s29+$0x5F0]  }
0x125: {  	v37 =	vld [tilespmem:s29+$0x650]  }
0x126: {  	v36 =	vld [tilespmem:s29+$0x8650]  }
0x127: {  	v20 =	vld [tilespmem:s29+$0x680]  }
0x128: {  	v26 =	vld [tilespmem:s29+$0x5B0]  }
0x129: {  	v35 =	vld [tilespmem:s29+$0x610]  }
0x12a: {  	v33 =	vld [tilespmem:s29+$0x8610]  }
0x12b: {  	v27 =	vld [tilespmem:s29+$0x640]  }
0x12c: {  	v61 =	vld [tilespmem:s29+$0x570]  }
0x12d: {  	[tilespmem:$0x1FF60] =	vst v14;
	v14 =	vld [tilespmem:s29+$0x85F0]  }
0x12e: {  	[tilespmem:$0x1FF80] =	vst v26;
	v26 =	vld [tilespmem:s29+$0x85B0]  }
0x12f: {  	v28 =	vmul.f32 v28, v17;
	v17 =	vld [tilespmem:s29+$0x8570]  }
0x130: {  	v31 =	vmul.f32 v34, v31;
	v34 =	vld [tilespmem:s29+$0x85A0]  }
0x131: {  	v10 =	vmul.f32 v10, v11;
	v11 =	vld [tilespmem:s29+$0x600]  }
0x132: {  	v15 =	vmul.f32 v16, v15;
	v16 =	vmul.f32 v30, v29;
	v30 =	vld [tilespmem:s29+$0x8530]  }
0x133: {  	v29 =	vld [tilespmem:s29+$0x560]  }
0x134: {  	v6 =	vmul.f32 v6, v7;
	v7 =	vmul.f32 v25, v24;
	v25 =	vld [tilespmem:s29+$0x85C0]  }
0x135: {  	[tilespmem:$0x1FFA0] =	vst v61;
	v61 =	vld [tilespmem:s29+$0x520]  }
0x136: {  	v22 =	vmul.f32 v23, v22;
	v23 =	vmul.f32 v45, v44;
	v44 =	vld [tilespmem:s29+$0x8580]  }
0x137: {  	v18 =	vmul.f32 v19, v18;
	v45 =	vld [tilespmem:s29+$0x8400];
	v19 =	vadd.f32 $0.0e+00, v28  }
0x138: {  	v28 =	vld [tilespmem:s29+$0x5D0]  }
0x139: {  	v8 =	vmul.f32 v9, v8;
	v9 =	vadd.f32 v18, v19;
	v18 =	vadd.f32 $0.0e+00, v31;
	v31 =	vld [tilespmem:s29+$0x85D0]  }
0x13a: {  	v19 =	vmul.f32 v49, v48;
	v48 =	vld [tilespmem:s29+$0x530]  }
0x13b: {  	[tilespmem:$0x1FF70] =	vst v14;
	v14 =	vld [tilespmem:s29+$0x620]  }
0x13c: {  	[tilespmem:$0x1FF90] =	vst v26;
	v26 =	vld [tilespmem:s29+$0x5E0]  }
0x13d: {  	[tilespmem:$0x1FFB0] =	vst v17;
	v17 =	vld [tilespmem:s29+$0x5A0];
	v7 =	vadd.f32 v7, v18;
	v8 =	vadd.f32 v8, v9  }
0x13e: {  	v18 =	vld [tilespmem:s29+$0x8600];
	v9 =	vmul.f32 v57, v0;
	v19 =	vadd.f32 $0.0e+00, v19  }
0x13f: {  	v57 =	vld [tilespmem:s29+$0x8560];
	v7 =	vadd.f32 v15, v7;
	v6 =	vadd.f32 v6, v8  }
0x140: {  	v0 =	vld [tilespmem:s29+$0x4F0];
	v8 =	vmul.f32 v47, v46;
	v9 =	vadd.f32 $0.0e+00, v9;
	v15 =	vadd.f32 v16, v19  }
0x141: {  	v12 =	vmul.f32 v13, v12;
	v46 =	vld [tilespmem:s29+$0x590];
	v16 =	vmul.f32 v21, v32;
	v7 =	vadd.f32 v10, v7  }
0x142: {  	v32 =	vld [tilespmem:s29+$0x4D0];
	v8 =	vadd.f32 v8, v9;
	v9 =	vmul.f32 v41, v40;
	v13 =	vadd.f32 v22, v15  }
0x143: {  	[tilespmem:$0x1FF20] =	vst v14;
	v14 =	vld [tilespmem:s29+$0x8620];
	v10 =	vperm.xlane v6, v1  }
0x144: {  	[tilespmem:$0x1FF40] =	vst v26;
	v26 =	vld [tilespmem:s29+$0x85E0];
	v15 =	vperm.xlane v7, v1;
	v9 =	vadd.f32 v9, v8;
	v13 =	vadd.f32 v12, v13  }
0x145: {  	v4 =	vmul.f32 v4, v5;
	v40 =	vld [tilespmem:s29+$0x8590];
	v17 =	vmul.f32 v34, v17;
	v6 =	vadd.f32 v6, v10  }
0x146: {  	v41 =	vld [tilespmem:s29+$0x580];
	v7 =	vadd.f32 v7, v15;
	v9 =	vadd.f32 v16, v9;
	v16 =	vperm.xlane v13, v1  }
0x147: {  	v4 =	vadd.f32 $0.0e+00, v4;
	v34 =	vld [tilespmem:s29+$0x4C0];
	v11 =	vmul.f32 v18, v11;
	v19 =	vperm.xlane v6, v2  }
0x148: {  	v18 =	vmul.f32 v36, v37;
	v36 =	vld [tilespmem:s29+$0x500];
	v5 =	vperm.xlane v7, v2;
	v21 =	vadd.f32 v13, v16  }
0x149: {  	v37 =	vld [tilespmem:s29+$0x420];
	v22 =	vperm.xlane v9, v1;
	v6 =	vadd.f32 v6, v19;
	v19 =	vmul.f32 v55, v54  }
0x14a: {  	[tilespmem:$0x1FF30] =	vst v14;
	v14 =	vld [tilespmem:s29+$0x8680];
	v5 =	vadd.f32 v7, v5  }
0x14b: {  	[tilespmem:$0x1FF50] =	vst v26;
	v26 =	vld [tilespmem:s29+$0x8640];
	v7 =	vadd.f32 v9, v22;
	v9 =	vperm.xlane v21, v2;
	v19 =	vadd.f32 v19, v4  }
0x14c: {  	v10 =	vld [tilespmem:s29+$0x5C0]  }
0x14d: {  	v15 =	vld [tilespmem:s29+$0x8520];
	v49 =	vadd.f32 v21, v9;
	v21 =	vadd.f32 v23, v19;
	v23 =	vmul.f32 v39, v38  }
0x14e: {  	v40 =	vmul.f32 v40, v46;
	v46 =	vld [tilespmem:s29+$0x400]  }
0x14f: {  	v8 =	vld [tilespmem:$0x1FF30];
	v14 =	vmul.f32 v14, v20;
	v20 =	vadd.f32 v23, v21  }
0x150: {  	v26 =	vmul.f32 v26, v27;
	v27 =	vmul.f32 v3, v60;
	v3 =	vld [tilespmem:$0x1FF20]  }
0x151: {  	v13 =	vld [tilespmem:s29+$0x550];
	v55 =	vperm.xlane v20, v1  }
0x152: {  	v11 =	vadd.f32 $0.0e+00, v11;
	v16 =	vld [tilespmem:s29+$0x8550];
	v10 =	vmul.f32 v25, v10;
	v38 =	vmul.f32 v43, v42  }
0x153: {  	v25 =	vld [tilespmem:s29+$0x8430];
	v43 =	vadd.f32 v20, v55;
	v20 =	vadd.f32 $0.0e+00, v26;
	v26 =	vmul.f32 v33, v35  }
0x154: {  	v9 =	vld [tilespmem:s29+$0x4B0]  }
0x155: {  	v11 =	vadd.f32 v26, v11;
	v26 =	vmul.f32 v8, v3;
	v3 =	vld [tilespmem:$0x1FF40]  }
0x156: {  	v22 =	vperm.xlane v6, v56;
	v8 =	vld [tilespmem:$0x1FF50]  }
0x157: {  	v28 =	vmul.f32 v31, v28;
	v19 =	vld [tilespmem:s29+$0x4E0]  }
0x158: {  	v54 =	vmul.f32 v63, v62;
	v10 =	vadd.f32 $0.0e+00, v10;
	v4 =	vadd.f32 v6, v22;
	v22 =	vld [tilespmem:s29+$0x84E0]  }
0x159: {  	v6 =	vperm.xlane v7, v2;
	v42 =	vmul.f32 v53, v52;
	v53 =	vld [tilespmem:s29+$0x8510]  }
0x15a: {  	v24 =	vperm.xlane v5, v56;
	v39 =	vmul.f32 v51, v50;
	v50 =	vld [tilespmem:s29+$0x8540];
	v10 =	vadd.f32 v28, v10  }
0x15b: {  	v7 =	vadd.f32 v7, v6;
	v14 =	vadd.f32 $0.0e+00, v14;
	v28 =	vmul.f32 v8, v3;
	v3 =	vld [tilespmem:$0x1FF60]  }
0x15c: {  	v60 =	vmul.f32 v44, v41;
	v6 =	vperm.xlane v49, v56;
	v8 =	vld [tilespmem:$0x1FF70]  }
0x15d: {  	v41 =	vld [tilespmem:s29+$0x84C0];
	v5 =	vadd.f32 v5, v24;
	v24 =	vperm.xlane v7, v56;
	v14 =	vadd.f32 v54, v14  }
0x15e: {  	v58 =	vmul.f32 v59, v58;
	v44 =	vld [tilespmem:s29+$0x480];
	v6 =	vadd.f32 v49, v6;
	v59 =	vadd.f32 v18, v20  }
0x15f: {  	v21 =	vld [tilespmem:s29+$0x510];
	v7 =	vadd.f32 v7, v24;
	v14 =	vadd.f32 v42, v14  }
0x160: {  	v49 =	vld [tilespmem:s29+$0x540];
	v33 =	vadd.f32 $0.0e+00, v60;
	v27 =	vadd.f32 v27, v59  }
0x161: {  	v14 =	vadd.f32 v38, v14;
	v10 =	vadd.f32 v28, v10;
	v28 =	vmul.f32 v8, v3;
	v3 =	vld [tilespmem:$0x1FF80]  }
0x162: {  	v11 =	vadd.f32 v26, v11;
	v27 =	vadd.f32 v39, v27;
	v8 =	vld [tilespmem:$0x1FF90]  }
0x163: {  	v24 =	vld [tilespmem:s29+$0x430];
	v31 =	vperm.xlane v43, v2;
	v33 =	vadd.f32 v40, v33;
	v26 =	vperm.xlane v14, v1  }
0x164: {  	v35 =	vld [tilespmem:s29+$0x84D0];
	v11 =	vadd.f32 v58, v11;
	v62 =	vperm.xlane v27, v1;
	v10 =	vadd.f32 v28, v10  }
0x165: {  	v42 =	vld [tilespmem:s29+$0x450];
	v31 =	vadd.f32 v43, v31;
	v14 =	vadd.f32 v14, v26  }
0x166: {  	v18 =	vld [tilespmem:s29+$0x470];
	v63 =	vadd.f32 v27, v62;
	v28 =	vperm.xlane v11, v1;
	v52 =	vperm.xlane v10, v1  }
0x167: {  	v20 =	vld [tilespmem:s29+$0x4A0];
	v17 =	vadd.f32 v17, v33;
	v51 =	vperm.xlane v14, v2;
	v54 =	vmul.f32 v8, v3  }
0x168: {  	v38 =	vld [tilespmem:s29+$0x8500];
	v11 =	vadd.f32 v11, v28;
	v28 =	vperm.xlane v63, v2;
	v55 =	vadd.f32 v10, v52  }
0x169: {  	v40 =	vld [tilespmem:s29+$0x410];
	v58 =	vperm.xlane v31, v56;
	v14 =	vadd.f32 v14, v51;
	v17 =	vadd.f32 v54, v17  }
0x16a: {  	v10 =	vperm.xlane v11, v2;
	v28 =	vadd.f32 v63, v28;
	v59 =	vperm.xlane v55, v2;
	v2 =	vld [tilespmem:$0x1FFB0]  }
0x16b: {  	v60 =	vperm.xlane v14, v56;
	v63 =	vperm.xlane v17, v1;
	v1 =	vld [tilespmem:$0x1FFA0]  }
0x16c: {  	v43 =	vld [tilespmem:s29+$0x8410];
	v62 =	vadd.f32 v11, v10;
	v10 =	vadd.f32 v31, v58;
	v31 =	vperm.xlane v28, v56  }
0x16d: {  	v29 =	vmul.f32 v57, v29;
	v39 =	vld [tilespmem:s29+$0x8420];
	v11 =	vadd.f32 v14, v60  }
0x16e: {  	v26 =	vld [tilespmem:s29+$0x460];
	v47 =	vadd.f32 v55, v59;
	v14 =	vadd.f32 v28, v31;
	v31 =	vperm.xlane v62, v56  }
0x16f: {  	v49 =	vmul.f32 v50, v49;
	v27 =	vld [tilespmem:s29+$0x490];
	v28 =	vmul.f32 v30, v48;
	v48 =	vadd.f32 v17, v63  }
0x170: {  	s31 =	simm.s32 $0x2000;
	s30 =	simm.s32 $0x10400;
	v30 =	vld [tilespmem:s29+$0x440];
	v50 =	vperm.xlane v47, v56;
	v17 =	vadd.f32 v62, v31;
	v33 =	vmul.f32 v2, v1  }
.LBB2_2:
0x171: {  	v52 =	vld [tilespmem:$0x1FFD0]  }
0x172: {  	v31 =	vld [tilespmem:s29+$0x8440]  }
0x173: {  	v15 =	vmul.f32 v15, v61;
	v19 =	vmul.f32 v22, v19  }
0x174: {  	v61 =	vld [tilespmem:s29+$0x8480];
	v13 =	vmul.f32 v16, v13;
	v36 =	vmul.f32 v38, v36  }
0x175: {  	v22 =	vadd.f32 $0.0e+00, v49;
	v16 =	vld [tilespmem:s29+$0x8450];
	v21 =	vmul.f32 v53, v21;
	v24 =	vmul.f32 v25, v24  }
0x176: {  	v12 =	vadd.f32 v47, v50;
	v25 =	vld [tilespmem:s29+$0x8490];
	v63 =	vmul.f32 v45, v46;
	v51 =	vperm.xlane v48, v52  }
0x177: {  	v30 =	vmul.f32 v31, v30;
	v13 =	vadd.f32 v13, v22;
	v36 =	vadd.f32 $0.0e+00, v36  }
0x178: {  	v62 =	vld [tilespmem:s29+$0x8460];
	v32 =	vmul.f32 v35, v32;
	v45 =	vadd.f32 $0.0e+00, v63;
	v1 =	vadd.f32 v48, v51  }
0x179: {  	v34 =	vmul.f32 v41, v34;
	v31 =	vld [tilespmem:s29+$0x84A0];
	v30 =	vadd.f32 $0.0e+00, v30;
	v13 =	vadd.f32 v29, v13  }
0x17a: {  	v29 =	vmul.f32 v43, v40;
	v43 =	vld [tilespmem:s29+$0x8470];
	v21 =	vadd.f32 v21, v36;
	v44 =	vmul.f32 v61, v44  }
0x17b: {  	v46 =	vld [tilespmem:s29+$0x84B0];
	v16 =	vmul.f32 v16, v42;
	v25 =	vmul.f32 v25, v27;
	v27 =	vadd.f32 $0.0e+00, v34  }
0x17c: {  	v47 =	vld [tilespmem:s29+$0x84F0];
	v22 =	vmul.f32 v39, v37;
	v29 =	vadd.f32 v29, v45;
	v39 =	vadd.f32 $0.0e+00, v44  }
0x17d: {  	v26 =	vmul.f32 v62, v26;
	v15 =	vadd.f32 v15, v21;
	v16 =	vadd.f32 v16, v30  }
0x17e: {  	v23 =	vld [tilespmem:$0x1FFC0];
	v20 =	vmul.f32 v31, v20;
	v27 =	vadd.f32 v32, v27;
	v25 =	vadd.f32 v25, v39  }
0x17f: {  	v22 =	vadd.f32 v22, v29;
	v29 =	vld [tilespmem:$0x1FFE0];
	v16 =	vadd.f32 v26, v16;
	v18 =	vmul.f32 v43, v18  }
0x180: {  	v9 =	vmul.f32 v46, v9;
	v19 =	vadd.f32 v19, v27;
	v20 =	vadd.f32 v20, v25  }
0x181: {  	v8 =	vmul.f32 v47, v0;
	v22 =	vadd.f32 v24, v22;
	v16 =	vadd.f32 v18, v16  }
0x182: {  	v13 =	vadd.f32 v33, v13;
	v9 =	vadd.f32 v9, v20  }
0x183: {  	v8 =	vadd.f32 v8, v19;
	v20 =	vperm.xlane v22, v23;
	v21 =	vperm.xlane v16, v23  }
0x184: {  	v15 =	vadd.f32 v28, v15;
	v18 =	vperm.xlane v1, v29;
	v19 =	vperm.xlane v9, v23  }
0x185: {  	v20 =	vadd.f32 v22, v20;
	v16 =	vadd.f32 v16, v21;
	v21 =	vperm.xlane v8, v23  }
0x186: {  	v22 =	vperm.xlane v13, v23;
	v9 =	vadd.f32 v9, v19;
	v19 =	vperm.xlane v15, v23  }
0x187: {  	v24 =	vperm.xlane v20, v52;
	v25 =	vperm.xlane v16, v52;
	v8 =	vadd.f32 v8, v21  }
0x188: {  	v13 =	vadd.f32 v13, v22;
	v21 =	vperm.xlane v9, v52;
	v15 =	vadd.f32 v15, v19  }
0x189: {  	v19 =	vadd.f32 v20, v24;
	v16 =	vadd.f32 v16, v25;
	v20 =	vperm.xlane v8, v52  }
0x18a: {  	v0 =	vld [tilespmem:$0x1FFF0];
	v22 =	vperm.xlane v13, v52;
	v9 =	vadd.f32 v9, v21;
	v21 =	vperm.xlane v15, v52  }
0x18b: {  	v24 =	vperm.xlane v19, v29;
	v25 =	vperm.xlane v16, v29;
	v8 =	vadd.f32 v8, v20  }
0x18c: {  	v13 =	vadd.f32 v13, v22;
	v20 =	vperm.xlane v9, v29;
	v15 =	vadd.f32 v15, v21  }
0x18d: {  	v19 =	vadd.f32 v19, v24;
	v16 =	vadd.f32 v16, v25;
	v21 =	vperm.xlane v8, v29  }
0x18e: {  	v22 =	vperm.xlane v13, v29;
	v9 =	vadd.f32 v9, v20;
	v20 =	vperm.xlane v15, v29  }
0x18f: {  	v24 =	vperm.xlane v19, v0;
	v25 =	vperm.xlane v16, v0;
	v8 =	vadd.f32 v8, v21  }
0x190: {  	v13 =	vadd.f32 v13, v22;
	v21 =	vperm.xlane v9, v0;
	v15 =	vadd.f32 v15, v20  }
0x191: {  	v19 =	vadd.f32 v19, v24;
	v16 =	vadd.f32 v16, v25;
	v20 =	vperm.xlane v8, v0  }
0x192: {  	v18 =	vadd.f32 v1, v18;
	v9 =	vadd.f32 v9, v21;
	v21 =	vperm.xlane v15, v0  }
0x193: {  	v16 =	vsel vm0, v19, v16;
	v8 =	vadd.f32 v8, v20;
	v19 =	vperm.xlane v13, v0  }
0x194: {  	v9 =	vsel vm1, v16, v9;
	v15 =	vadd.f32 v15, v21;
	v16 =	vperm.xlane v18, v0  }
0x195: {  	v8 =	vsel vm2, v9, v8;
	v9 =	vadd.f32 v13, v19;
	v13 =	vperm.xlane v12, v0  }
0x196: {  	v8 =	vsel vm3, v8, v15;
	v15 =	vadd.f32 v18, v16;
	v16 =	vperm.xlane v17, v0  }
0x197: {  	v8 =	vsel vm4, v8, v9;
	v9 =	vadd.f32 v12, v13;
	v12 =	vperm.xlane v14, v0  }
0x198: {  	v8 =	vsel vm5, v8, v15;
	v13 =	vadd.f32 v17, v16;
	v15 =	vperm.xlane v11, v0  }
0x199: {  	v8 =	vsel vm6, v8, v9;
	v9 =	vadd.f32 v14, v12;
	v12 =	vperm.xlane v10, v0  }
0x19a: {  	v8 =	vsel vm7, v8, v13;
	v11 =	vadd.f32 v11, v15;
	v13 =	vperm.xlane v7, v0  }
0x19b: {  	v8 =	vsel vm8, v8, v9;
	v9 =	vadd.f32 v10, v12;
	v10 =	vperm.xlane v6, v0  }
0x19c: {  	v8 =	vsel vm9, v8, v11;
	v7 =	vadd.f32 v7, v13;
	v11 =	vperm.xlane v5, v0  }
0x19d: {  	v8 =	vsel vm10, v8, v9;
	v6 =	vadd.f32 v6, v10;
	v9 =	vperm.xlane v4, v0  }
0x19e: {  	v7 =	vsel vm11, v8, v7;
	v5 =	vadd.f32 v5, v11  }
0x19f: {  	v6 =	vsel vm12, v7, v6;
	v4 =	vadd.f32 v4, v9  }
0x1a0: {  	v5 =	vsel vm13, v6, v5  }
0x1a1: {  	s30 =	sadd.s32 $0x10, s30;
	v4 =	vsel vm14, v5, v4  }
0x1a2: {  	s29 =	sshra.s32 s31, $0x2;
	[tilespmem:s30+$0x0] =	vst v4  }
0x1a3: {  	v16 =	vld [tilespmem:s29+$0x7F0]  }
0x1a4: {  	v28 =	vld [tilespmem:s29+$0x87F0]  }
0x1a5: {  	v13 =	vld [tilespmem:s29+$0x7B0]  }
0x1a6: {  	v15 =	vld [tilespmem:s29+$0x87B0]  }
0x1a7: {  	v51 =	vld [tilespmem:s29+$0x7E0]  }
0x1a8: {  	v53 =	vld [tilespmem:s29+$0x87E0]  }
0x1a9: {  	v17 =	vld [tilespmem:s29+$0x770]  }
0x1aa: {  	v14 =	vld [tilespmem:s29+$0x8770]  }
0x1ab: {  	v11 =	vld [tilespmem:s29+$0x7A0]  }
0x1ac: {  	v30 =	vld [tilespmem:s29+$0x87A0]  }
0x1ad: {  	v50 =	vld [tilespmem:s29+$0x7D0]  }
0x1ae: {  	v59 =	vld [tilespmem:s29+$0x87D0]  }
0x1af: {  	v20 =	vld [tilespmem:s29+$0x730]  }
0x1b0: {  	v18 =	vld [tilespmem:s29+$0x8730]  }
0x1b1: {  	v0 =	vld [tilespmem:s29+$0x6F0]  }
0x1b2: {  	v31 =	vld [tilespmem:s29+$0x760]  }
0x1b3: {  	v49 =	vld [tilespmem:s29+$0x8760]  }
0x1b4: {  	v60 =	vld [tilespmem:s29+$0x790]  }
0x1b5: {  	v61 =	vld [tilespmem:s29+$0x8790]  }
0x1b6: {  	[tilespmem:$0x1FE00] =	vst v0;
	v0 =	vld [tilespmem:s29+$0x86F0]  }
0x1b7: {  	v33 =	vld [tilespmem:s29+$0x7C0]  }
0x1b8: {  	v34 =	vld [tilespmem:s29+$0x87C0]  }
0x1b9: {  	v47 =	vld [tilespmem:s29+$0x720]  }
0x1ba: {  	v48 =	vld [tilespmem:s29+$0x8720]  }
0x1bb: {  	[tilespmem:$0x1FE10] =	vst v0;
	v0 =	vld [tilespmem:s29+$0x5F0]  }
0x1bc: {  	v62 =	vld [tilespmem:s29+$0x750]  }
0x1bd: {  	v63 =	vld [tilespmem:s29+$0x8750]  }
0x1be: {  	v6 =	vld [tilespmem:s29+$0x780]  }
0x1bf: {  	v5 =	vld [tilespmem:s29+$0x8780]  }
0x1c0: {  	[tilespmem:$0x1FE40] =	vst v0;
	v0 =	vld [tilespmem:s29+$0x85F0]  }
0x1c1: {  	v27 =	vld [tilespmem:s29+$0x6B0]  }
0x1c2: {  	v26 =	vld [tilespmem:s29+$0x86B0]  }
0x1c3: {  	v19 =	vld [tilespmem:s29+$0x6E0]  }
0x1c4: {  	v22 =	vld [tilespmem:s29+$0x86E0]  }
0x1c5: {  	[tilespmem:$0x1FE50] =	vst v0;
	v0 =	vld [tilespmem:s29+$0x620]  }
0x1c6: {  	v10 =	vld [tilespmem:s29+$0x710]  }
0x1c7: {  	v9 =	vld [tilespmem:s29+$0x8710]  }
0x1c8: {  	v4 =	vld [tilespmem:s29+$0x740]  }
0x1c9: {  	v3 =	vld [tilespmem:s29+$0x8740]  }
0x1ca: {  	[tilespmem:$0x1FE20] =	vst v0;
	v0 =	vld [tilespmem:s29+$0x8620]  }
0x1cb: {  	v21 =	vld [tilespmem:s29+$0x670]  }
0x1cc: {  	v38 =	vld [tilespmem:s29+$0x8670]  }
0x1cd: {  	v36 =	vld [tilespmem:s29+$0x6A0]  }
0x1ce: {  	v24 =	vld [tilespmem:s29+$0x86A0]  }
0x1cf: {  	[tilespmem:$0x1FE30] =	vst v0;
	v0 =	vld [tilespmem:s29+$0x5B0]  }
0x1d0: {  	v12 =	vld [tilespmem:s29+$0x6D0]  }
0x1d1: {  	v54 =	vld [tilespmem:s29+$0x86D0]  }
0x1d2: {  	v2 =	vld [tilespmem:s29+$0x700]  }
0x1d3: {  	v1 =	vld [tilespmem:s29+$0x8700]  }
0x1d4: {  	[tilespmem:$0x1FE60] =	vst v0;
	v0 =	vld [tilespmem:s29+$0x85B0]  }
0x1d5: {  	v25 =	vld [tilespmem:s29+$0x630]  }
0x1d6: {  	v40 =	vld [tilespmem:s29+$0x8630]  }
0x1d7: {  	v35 =	vld [tilespmem:s29+$0x660]  }
0x1d8: {  	v32 =	vld [tilespmem:s29+$0x8660]  }
0x1d9: {  	[tilespmem:$0x1FE70] =	vst v0;
	v0 =	vld [tilespmem:s29+$0x570]  }
0x1da: {  	v42 =	vld [tilespmem:s29+$0x690]  }
0x1db: {  	v44 =	vld [tilespmem:s29+$0x8690]  }
0x1dc: {  	v8 =	vld [tilespmem:s29+$0x6C0]  }
0x1dd: {  	v7 =	vld [tilespmem:s29+$0x86C0]  }
0x1de: {  	[tilespmem:$0x1FE80] =	vst v0;
	v0 =	vld [tilespmem:s29+$0x8570]  }
0x1df: {  	v41 =	vld [tilespmem:s29+$0x650]  }
0x1e0: {  	v43 =	vld [tilespmem:s29+$0x8650]  }
0x1e1: {  	v55 =	vld [tilespmem:s29+$0x680]  }
0x1e2: {  	v57 =	vld [tilespmem:s29+$0x8680]  }
0x1e3: {  	v37 =	vld [tilespmem:s29+$0x5E0];
	v5 =	vmul.f32 v5, v6;
	[tilespmem:$0x1FE90] =	vst v0;
	v0 =	vmul.f32 v34, v33  }
0x1e4: {  	v39 =	vld [tilespmem:s29+$0x85E0];
	v6 =	vmul.f32 v59, v50;
	v53 =	vmul.f32 v53, v51  }
0x1e5: {  	v45 =	vld [tilespmem:s29+$0x610];
	v16 =	vmul.f32 v28, v16;
	v3 =	vmul.f32 v3, v4;
	v0 =	vadd.f32 $0.0e+00, v0  }
0x1e6: {  	v46 =	vld [tilespmem:s29+$0x8610];
	v28 =	vmul.f32 v61, v60;
	v4 =	vmul.f32 v15, v13;
	v5 =	vadd.f32 $0.0e+00, v5  }
0x1e7: {  	v56 =	vld [tilespmem:s29+$0x640];
	v1 =	vmul.f32 v1, v2;
	v2 =	vadd.f32 $0.0e+00, v3;
	v0 =	vadd.f32 v6, v0  }
0x1e8: {  	v58 =	vld [tilespmem:s29+$0x8640];
	v3 =	vmul.f32 v63, v62;
	v5 =	vadd.f32 v28, v5;
	v6 =	vmul.f32 v30, v11  }
0x1e9: {  	v50 =	vld [tilespmem:s29+$0x5D0];
	v13 =	vmul.f32 v49, v31;
	v1 =	vadd.f32 $0.0e+00, v1;
	v0 =	vadd.f32 v53, v0  }
0x1ea: {  	v51 =	vld [tilespmem:s29+$0x85D0];
	v2 =	vadd.f32 v3, v2;
	v5 =	vadd.f32 v6, v5;
	v6 =	vmul.f32 v9, v10  }
0x1eb: {  	v59 =	vld [tilespmem:s29+$0x600];
	v3 =	vmul.f32 v14, v17;
	v0 =	vadd.f32 v16, v0  }
0x1ec: {  	v60 =	vld [tilespmem:s29+$0x8600];
	v2 =	vadd.f32 v13, v2;
	v1 =	vadd.f32 v6, v1;
	v6 =	vmul.f32 v48, v47  }
0x1ed: {  	v31 =	vld [tilespmem:s29+$0x8560];
	v7 =	vmul.f32 v7, v8;
	v4 =	vadd.f32 v4, v5;
	v5 =	vperm.xlane v0, v23  }
0x1ee: {  	v49 =	vld [tilespmem:s29+$0x590];
	v2 =	vadd.f32 v3, v2;
	v1 =	vadd.f32 v6, v1;
	v6 =	vmul.f32 v18, v20  }
0x1ef: {  	v61 =	vld [tilespmem:s29+$0x520];
	v40 =	vmul.f32 v40, v25;
	v9 =	vperm.xlane v4, v23;
	v5 =	vadd.f32 v0, v5  }
0x1f0: {  	v15 =	vld [tilespmem:s29+$0x8520];
	v25 =	vmul.f32 v58, v56;
	v1 =	vadd.f32 v6, v1;
	v6 =	vperm.xlane v2, v23  }
0x1f1: {  	v58 =	vmul.f32 v32, v35;
	v32 =	vld [tilespmem:s29+$0x4D0];
	v4 =	vadd.f32 v4, v9;
	v9 =	vperm.xlane v5, v52  }
0x1f2: {  	v35 =	vld [tilespmem:s29+$0x84D0];
	v2 =	vadd.f32 v2, v6;
	v6 =	vadd.f32 $0.0e+00, v7;
	v7 =	vmul.f32 v54, v12  }
0x1f3: {  	v37 =	vmul.f32 v39, v37;
	v39 =	vld [tilespmem:s29+$0x8420];
	v8 =	vperm.xlane v4, v52;
	v5 =	vadd.f32 v5, v9  }
0x1f4: {  	v41 =	vmul.f32 v43, v41;
	v43 =	vld [tilespmem:s29+$0x8410];
	v6 =	vadd.f32 v7, v6;
	v7 =	vmul.f32 v22, v19  }
0x1f5: {  	v62 =	vld [tilespmem:s29+$0x560];
	v8 =	vadd.f32 v4, v8;
	v4 =	vperm.xlane v2, v52;
	v9 =	vperm.xlane v5, v29  }
0x1f6: {  	v6 =	vadd.f32 v7, v6;
	v7 =	vld [tilespmem:$0x1FE10]  }
0x1f7: {  	v2 =	vadd.f32 v2, v4;
	v4 =	vadd.f32 v5, v9;
	v5 =	vld [tilespmem:$0x1FE00]  }
0x1f8: {  	v63 =	vadd.f32 $0.0e+00, v25;
	v25 =	vld [tilespmem:s29+$0x8430]  }
0x1f9: {  	v28 =	vld [tilespmem:s29+$0x530]  }
0x1fa: {  	v13 =	vld [tilespmem:s29+$0x550]  }
0x1fb: {  	v3 =	vld [tilespmem:s29+$0x85C0];
	v17 =	vperm.xlane v8, v29  }
0x1fc: {  	v33 =	vld [tilespmem:s29+$0x5A0];
	v7 =	vmul.f32 v7, v5  }
0x1fd: {  	v34 =	vld [tilespmem:s29+$0x85A0];
	v5 =	vadd.f32 v8, v17;
	v17 =	vperm.xlane v2, v29  }
0x1fe: {  	v30 =	vld [tilespmem:s29+$0x8530];
	v18 =	vmul.f32 v57, v55;
	v8 =	vmul.f32 v26, v27;
	v27 =	vadd.f32 v7, v6  }
0x1ff: {  	v11 =	vld [tilespmem:s29+$0x5C0];
	v6 =	vadd.f32 v2, v17  }
0x200: {  	v10 =	vld [tilespmem:s29+$0x8590];
	v2 =	vadd.f32 $0.0e+00, v18;
	v17 =	vmul.f32 v44, v42;
	v18 =	vperm.xlane v27, v23  }
0x201: {  	v53 =	vld [tilespmem:s29+$0x8510];
	v20 =	vmul.f32 v24, v36  }
0x202: {  	v16 =	vld [tilespmem:s29+$0x8550];
	v2 =	vadd.f32 v17, v2;
	v17 =	vadd.f32 v27, v18;
	v27 =	vmul.f32 v60, v59  }
0x203: {  	v48 =	vld [tilespmem:s29+$0x8580]  }
0x204: {  	v47 =	vld [tilespmem:$0x1FE50];
	v36 =	vmul.f32 v46, v45;
	v2 =	vadd.f32 v20, v2;
	v27 =	vadd.f32 $0.0e+00, v27  }
0x205: {  	v46 =	vld [tilespmem:$0x1FE30];
	v14 =	vperm.xlane v1, v23  }
0x206: {  	v2 =	vadd.f32 v8, v2;
	v8 =	vadd.f32 v36, v27;
	v27 =	vld [tilespmem:$0x1FE20]  }
0x207: {  	v1 =	vadd.f32 v1, v14;
	v14 =	vld [tilespmem:s29+$0x580]  }
0x208: {  	v3 =	vmul.f32 v3, v11;
	v28 =	vmul.f32 v30, v28;
	v30 =	vld [tilespmem:s29+$0x440]  }
0x209: {  	v24 =	vld [tilespmem:s29+$0x430]  }
0x20a: {  	v45 =	vmul.f32 v51, v50;
	v55 =	vld [tilespmem:$0x1FE70];
	v3 =	vadd.f32 $0.0e+00, v3  }
0x20b: {  	v0 =	vld [tilespmem:s29+$0x4F0];
	v27 =	vmul.f32 v46, v27  }
0x20c: {  	v3 =	vadd.f32 v45, v3;
	v45 =	vld [tilespmem:s29+$0x8400];
	v14 =	vmul.f32 v48, v14  }
0x20d: {  	v41 =	vadd.f32 v41, v63;
	v8 =	vadd.f32 v27, v8;
	v27 =	vld [tilespmem:$0x1FE40]  }
0x20e: {  	v10 =	vmul.f32 v10, v49;
	v12 =	vld [tilespmem:s29+$0x540];
	v3 =	vadd.f32 v37, v3;
	v14 =	vadd.f32 $0.0e+00, v14  }
0x20f: {  	v37 =	vld [tilespmem:s29+$0x420];
	v26 =	vmul.f32 v38, v21;
	v38 =	vadd.f32 v58, v41;
	v11 =	vperm.xlane v17, v52  }
0x210: {  	v19 =	vld [tilespmem:s29+$0x4E0];
	v22 =	vperm.xlane v1, v52;
	v10 =	vadd.f32 v10, v14;
	v14 =	vmul.f32 v34, v33  }
0x211: {  	v9 =	vld [tilespmem:s29+$0x4B0];
	v11 =	vadd.f32 v17, v11;
	v17 =	vadd.f32 v26, v38;
	v26 =	vperm.xlane v2, v23  }
0x212: {  	v1 =	vadd.f32 v1, v22;
	v10 =	vadd.f32 v14, v10;
	v14 =	vld [tilespmem:$0x1FE60];
	v27 =	vmul.f32 v47, v27  }
0x213: {  	v22 =	vld [tilespmem:s29+$0x84E0];
	v2 =	vadd.f32 v2, v26  }
0x214: {  	v21 =	vld [tilespmem:s29+$0x510];
	v7 =	vperm.xlane v1, v29;
	v3 =	vadd.f32 v27, v3  }
0x215: {  	v34 =	vld [tilespmem:s29+$0x4C0];
	v50 =	vperm.xlane v2, v52  }
0x216: {  	v41 =	vld [tilespmem:s29+$0x84C0];
	v7 =	vadd.f32 v1, v7;
	v51 =	vperm.xlane v3, v23  }
0x217: {  	v42 =	vld [tilespmem:s29+$0x450];
	v14 =	vmul.f32 v55, v14;
	v2 =	vadd.f32 v2, v50;
	v8 =	vadd.f32 v40, v8  }
0x218: {  	v44 =	vld [tilespmem:s29+$0x480];
	v48 =	vperm.xlane v17, v23;
	v57 =	vperm.xlane v11, v29;
	v3 =	vadd.f32 v3, v51  }
0x219: {  	v1 =	vld [tilespmem:s29+$0x8540];
	v58 =	vadd.f32 v14, v10;
	v59 =	vperm.xlane v2, v29;
	v49 =	vperm.xlane v8, v23  }
0x21a: {  	v18 =	vld [tilespmem:s29+$0x470];
	v17 =	vadd.f32 v17, v48;
	v10 =	vadd.f32 v11, v57;
	v14 =	vperm.xlane v3, v52  }
0x21b: {  	v11 =	vadd.f32 v2, v59;
	v2 =	vld [tilespmem:$0x1FE80];
	v8 =	vadd.f32 v8, v49  }
0x21c: {  	v54 =	vperm.xlane v17, v52;
	v47 =	vadd.f32 v3, v14;
	v3 =	vld [tilespmem:$0x1FE90]  }
0x21d: {  	v20 =	vld [tilespmem:s29+$0x4A0];
	v56 =	vperm.xlane v8, v52  }
0x21e: {  	p0 =	sne.s32 s31, $0x1F000;
	v36 =	vld [tilespmem:s29+$0x500];
	v17 =	vadd.f32 v17, v54  }
.Ltmp0:
0x21f: {  	v38 =	vld [tilespmem:s29+$0x8500];
	v8 =	vadd.f32 v8, v56;
	(pc) =	sbr.rel @p0 .LBB2_2-.Ltmp0, $4  }
0x220: {  	v63 =	vperm.xlane v58, v23;
	v26 =	vld [tilespmem:s29+$0x460];
	v60 =	vperm.xlane v17, v29  }
0x221: {  	v46 =	vld [tilespmem:s29+$0x400];
	v33 =	vmul.f32 v3, v2;
	v2 =	vperm.xlane v8, v29  }
0x222: {  	v48 =	vadd.f32 v58, v63;
	v40 =	vld [tilespmem:s29+$0x410];
	v49 =	vmul.f32 v1, v12;
	v14 =	vadd.f32 v17, v60  }
0x223: {  	s31 =	sadd.s32 $0x1000, s31;
	v27 =	vld [tilespmem:s29+$0x490];
	v50 =	vperm.xlane v47, v29;
	v29 =	vmul.f32 v31, v62;
	v17 =	vadd.f32 v8, v2  }
0x224: {  	v51 =	vld [tilespmem:$0x1FFD0]  }
0x225: {  	v2 =	vmul.f32 v15, v61;
	v60 =	vmul.f32 v22, v19  }
0x226: {  	v1 =	vld [tilespmem:s29+$0x8440];
	v13 =	vmul.f32 v16, v13;
	v63 =	vmul.f32 v38, v36  }
0x227: {  	v12 =	vld [tilespmem:s29+$0x8480];
	v61 =	vadd.f32 $0.0e+00, v49;
	v21 =	vmul.f32 v53, v21;
	v23 =	vmul.f32 v25, v24  }
0x228: {  	v62 =	vld [tilespmem:s29+$0x8450];
	v38 =	vmul.f32 v35, v32;
	v8 =	vadd.f32 v47, v50;
	v47 =	vmul.f32 v41, v34  }
0x229: {  	v36 =	vld [tilespmem:s29+$0x8490];
	v39 =	vmul.f32 v39, v37;
	v13 =	vadd.f32 v13, v61;
	v3 =	vperm.xlane v48, v51  }
0x22a: {  	v31 =	vld [tilespmem:s29+$0x8460];
	v22 =	vadd.f32 $0.0e+00, v63;
	v50 =	vmul.f32 v43, v40;
	v55 =	vadd.f32 $0.0e+00, v47  }
0x22b: {  	v49 =	vld [tilespmem:s29+$0x84A0];
	v1 =	vmul.f32 v1, v30;
	v3 =	vadd.f32 v48, v3;
	v48 =	vmul.f32 v45, v46  }
0x22c: {  	v52 =	vld [tilespmem:s29+$0x8470];
	v13 =	vadd.f32 v29, v13;
	v21 =	vadd.f32 v21, v22;
	v12 =	vmul.f32 v12, v44  }
0x22d: {  	v54 =	vld [tilespmem:s29+$0x84B0];
	v16 =	vmul.f32 v62, v42;
	v1 =	vadd.f32 $0.0e+00, v1;
	v53 =	vadd.f32 $0.0e+00, v48  }
0x22e: {  	v56 =	vld [tilespmem:s29+$0x84F0];
	v24 =	vmul.f32 v36, v27;
	v58 =	vadd.f32 v38, v55;
	v12 =	vadd.f32 $0.0e+00, v12  }
0x22f: {  	v57 =	vmul.f32 v31, v26;
	v1 =	vadd.f32 v16, v1;
	v22 =	vadd.f32 v50, v53  }
0x230: {  	v63 =	vld [tilespmem:$0x1FFC0];
	v20 =	vmul.f32 v49, v20;
	v2 =	vadd.f32 v2, v21;
	v12 =	vadd.f32 v24, v12  }
0x231: {  	v59 =	vmul.f32 v52, v18;
	v1 =	vadd.f32 v57, v1;
	v19 =	vadd.f32 v39, v22  }
0x232: {  	v9 =	vmul.f32 v54, v9;
	v15 =	vadd.f32 v60, v58;
	v12 =	vadd.f32 v20, v12  }
0x233: {  	v61 =	vld [tilespmem:$0x1FFE0];
	v0 =	vmul.f32 v56, v0;
	v1 =	vadd.f32 v59, v1;
	v60 =	vadd.f32 v23, v19  }
0x234: {  	v13 =	vadd.f32 v33, v13;
	v9 =	vadd.f32 v9, v12  }
0x235: {  	v0 =	vadd.f32 v0, v15;
	v24 =	vperm.xlane v1, v63;
	v23 =	vperm.xlane v60, v63  }
0x236: {  	v2 =	vadd.f32 v28, v2;
	v28 =	vperm.xlane v13, v63;
	v25 =	vperm.xlane v9, v63  }
0x237: {  	v26 =	vperm.xlane v0, v63;
	v1 =	vadd.f32 v1, v24;
	v16 =	vadd.f32 v60, v23  }
0x238: {  	v62 =	vperm.xlane v3, v61;
	v27 =	vperm.xlane v2, v63;
	v9 =	vadd.f32 v9, v25  }
0x239: {  	v0 =	vadd.f32 v0, v26;
	v30 =	vperm.xlane v1, v51;
	v29 =	vperm.xlane v16, v51  }
0x23a: {  	v13 =	vadd.f32 v13, v28;
	v2 =	vadd.f32 v2, v27;
	v31 =	vperm.xlane v9, v51  }
0x23b: {  	v33 =	vperm.xlane v0, v51;
	v1 =	vadd.f32 v1, v30;
	v32 =	vadd.f32 v16, v29  }
0x23c: {  	v38 =	vld [tilespmem:$0x1FFF0];
	v34 =	vperm.xlane v2, v51;
	v19 =	vperm.xlane v13, v51;
	v9 =	vadd.f32 v9, v31  }
0x23d: {  	v0 =	vadd.f32 v0, v33;
	v21 =	vperm.xlane v1, v61;
	v20 =	vperm.xlane v32, v61  }
0x23e: {  	v2 =	vadd.f32 v2, v34;
	v13 =	vadd.f32 v13, v19;
	v35 =	vperm.xlane v9, v61  }
0x23f: {  	v36 =	vperm.xlane v0, v61;
	v1 =	vadd.f32 v1, v21;
	v15 =	vadd.f32 v32, v20  }
0x240: {  	v37 =	vperm.xlane v2, v61;
	v19 =	vperm.xlane v13, v61;
	v9 =	vadd.f32 v9, v35  }
0x241: {  	v0 =	vadd.f32 v0, v36;
	v21 =	vperm.xlane v1, v38;
	v20 =	vperm.xlane v15, v38  }
0x242: {  	v2 =	vadd.f32 v2, v37;
	v13 =	vadd.f32 v13, v19;
	v39 =	vperm.xlane v9, v38  }
0x243: {  	v40 =	vperm.xlane v0, v38;
	v1 =	vadd.f32 v1, v21;
	v15 =	vadd.f32 v15, v20  }
0x244: {  	v3 =	vadd.f32 v3, v62;
	v41 =	vperm.xlane v2, v38;
	v9 =	vadd.f32 v9, v39  }
0x245: {  	v42 =	vperm.xlane v13, v38;
	v0 =	vadd.f32 v0, v40;
	v1 =	vsel vm0, v15, v1  }
0x246: {  	v43 =	vperm.xlane v3, v38;
	v2 =	vadd.f32 v2, v41;
	v1 =	vsel vm1, v1, v9  }
0x247: {  	v45 =	vperm.xlane v8, v38;
	v44 =	vadd.f32 v13, v42;
	v0 =	vsel vm2, v1, v0  }
0x248: {  	v47 =	vperm.xlane v17, v38;
	v46 =	vadd.f32 v3, v43;
	v0 =	vsel vm3, v0, v2  }
0x249: {  	v49 =	vperm.xlane v14, v38;
	v48 =	vadd.f32 v8, v45;
	v0 =	vsel vm4, v0, v44  }
0x24a: {  	v50 =	vadd.f32 v17, v47;
	v51 =	vperm.xlane v11, v38;
	v0 =	vsel vm5, v0, v46  }
0x24b: {  	v53 =	vperm.xlane v10, v38;
	v52 =	vadd.f32 v14, v49;
	v0 =	vsel vm6, v0, v48  }
0x24c: {  	v55 =	vperm.xlane v7, v38;
	v54 =	vadd.f32 v11, v51;
	v0 =	vsel vm7, v0, v50  }
0x24d: {  	v57 =	vperm.xlane v6, v38;
	v56 =	vadd.f32 v10, v53;
	v0 =	vsel vm8, v0, v52  }
0x24e: {  	v58 =	vadd.f32 v7, v55;
	v59 =	vperm.xlane v5, v38;
	v0 =	vsel vm9, v0, v54  }
0x24f: {  	v60 =	vadd.f32 v6, v57;
	v61 =	vperm.xlane v4, v38;
	v0 =	vsel vm10, v0, v56  }
0x250: {  	v62 =	vadd.f32 v5, v59;
	v0 =	vsel vm11, v0, v58  }
0x251: {  	v63 =	vadd.f32 v4, v61;
	v0 =	vsel vm12, v0, v60  }
0x252: {  	s28 =	sadd.s32 $0x1, s28;
	v0 =	vsel vm13, v0, v62  }
0x253: {  	s31 =	sadd.s32 $0x10, s30;
	p0 =	sne.s32 s28, s8;
	v0 =	vsel vm14, v0, v63  }
.Ltmp1:
0x254: {  	[tilespmem:s31+$0x0] =	vst v0;
	(pc) =	sbr.rel @p0 .LBB2_1-.Ltmp1, $4  }
0x255: {  	[hbm4b:s7+s0] =	stream.linear.scatter [tilespmem:s26], [sflag:$0x2], $0x200, $0x38;
	[tilespmem:$0x10600] =	vst v63  }
0x256: {  	_ =	swait.ge [sflag:s9], $0x200  }
0x257: {  	[sflag:s9] =	ssyncset.done $0x0  }
0x258: {  	[sflag:s9] =	ssyncadd.s32 $0xFFFFFE00  }
0x259: {  	_ =	sfence.sel $0x180000  }
0x25a: {  	[bflag:$0x0] =	sbarrier.arrive $0xFFFF  }
0x25b: {  	p0 =	sne.s32 s2, $0x0;
	_ =	strace $0x90000047  }
0x25c: {  	s0 =	sadd.s32 @!p0 $0x100000, s1;
	[bflag:$0x2] =	sbarrier.arrive $0xFFFF  }
0x25d: {  	[sflag:s0] =	ssyncadd.tile.s32 @!p0 $0x1;
	_ =	shalt  }
.Lfunc_end2:
_tile_overlayer_lowered:
.L_overlay_start_2:
0x25e: {  	(tag) =	ssettag $0x2  }
0x25f: {  	s0 =	rddreg [dreg:$0x0];
	s2 =	stileid.u32  }
0x260: {  	s1 =	rddreg [dreg:$0x1];
	p0 =	sne.s32 s2, $0x0  }
0x261: {  	s3 =	rddreg [dreg:$0x2];
	[bflag:$0x3] =	sbarrier.arrive $0xFFFF;
	s2 =	simm.s32 @!p0 $0x1C02  }
0x262: {  	[timem:s3], [sflag:s2] =	dma.local @!p0 [hbm:s0], s1  }
0x263: {  	s0 =	simm.s32 @!p0 $0x2  }
0x264: {  	_ =	swait.ge @!p0 [sflag:s0], s1  }
0x265: {  	s1 =	ssub.s32 @!p0 $0x0, s1;
	[sflag:s0] =	ssyncset.done @!p0 $0x0  }
0x266: {  	[sflag:s0] =	ssyncadd.s32 @!p0 s1  }
0x267: {  	[bflag:$0x3] =	sbarrier.arrive $0xFFFF  }
0x268: {  	_ =	shalt  }

</sc_bundles>
